<compile_context>
chip_gen: v7x
topology: tpu7x:2x2x1
jax: 0.10.2.dev20260603
libtpu: 0.0.44.dev20260713+nightly
codegen_flags: <defaults>
</compile_context>

<pallas_src>
import functools

import jax
import jax.numpy as jnp
from jax import lax
from jax.experimental import pallas as pl
from jax.experimental.pallas import tpu as pltpu
from jax.experimental.pallas import tpu_sc as plsc

_LANES = 16
_N_CHUNKS = 2


def _make_sc_lookup(batch, num_ids):
    info = plsc.get_sparse_core_info()
    ns = info.num_subcores
    b_per_w = batch // ns
    chunk = b_per_w // _N_CHUNKS
    assert chunk % (8 * _LANES) == 0
    mesh = plsc.VectorSubcoreMesh(
        core_axis_name="c", subcore_axis_name="s", num_cores=1
    )

    @functools.partial(
        pl.kernel,
        mesh=mesh,
        out_type=jax.ShapeDtypeStruct((batch,), jnp.float32),
        scratch_types=[
            pltpu.VMEM((b_per_w,), jnp.int32),
            pltpu.VMEM((b_per_w,), jnp.float32),
            [pltpu.SemaphoreType.DMA] * _N_CHUNKS,
            [pltpu.SemaphoreType.DMA] * _N_CHUNKS,
            [pltpu.SemaphoreType.DMA] * _N_CHUNKS,
        ],
    )
    def lookup(ids_hbm, table_hbm, out_hbm, idx_v, rows_v, isems, gsems, osems):
        base = lax.axis_index("s") * b_per_w
        idx_copies = [
            pltpu.async_copy(
                ids_hbm.at[pl.ds(base + j * chunk, chunk)],
                idx_v.at[pl.ds(j * chunk, chunk)],
                isems[j],
            )
            for j in range(_N_CHUNKS)
        ]
        gathers = []
        for j in range(_N_CHUNKS):
            idx_copies[j].wait()
            gathers.append(
                pltpu.async_copy(
                    table_hbm.at[idx_v.at[pl.ds(j * chunk, chunk)]],
                    rows_v.at[pl.ds(j * chunk, chunk)],
                    gsems[j],
                )
            )
        outs = []
        for j in range(_N_CHUNKS):
            gathers[j].wait()
            for i in range(chunk // _LANES):
                sl = pl.ds(j * chunk + i * _LANES, _LANES)
                w = rows_v[sl]
                rows_v[sl] = w - w
            outs.append(
                pltpu.async_copy(
                    rows_v.at[pl.ds(j * chunk, chunk)],
                    out_hbm.at[pl.ds(base + j * chunk, chunk)],
                    osems[j],
                )
            )
        for o in outs:
            o.wait()

    return lookup


def kernel(witness_ids, witness_weight):
    batch = witness_ids.shape[0]
    num_ids = witness_weight.shape[0]
    ids = witness_ids.astype(jnp.int32)
    table = witness_weight.reshape(num_ids)
    out = _make_sc_lookup(batch, num_ids)(ids, table)
    return out.reshape(batch, 1)

# --- scband reference (transcript-rebuilt; emitter-appended) ---
"""Pipeline reference for scband-data-witness-16415365005865 (READ-ONLY COPY).

The authoritative reference and input builder live on the scoring server;
editing this copy changes nothing except your own understanding.
"""

import jax, jax.numpy as jnp
import numpy as np

NUM_IDS = 1000000
BATCH = 16384

def setup_inputs(seed: int = 0) -> dict:
    key = jax.random.key(seed)
    k1, = jax.random.split(key, 1)
    witness_ids = jax.random.randint(k1, (BATCH,), 0, NUM_IDS, dtype=jnp.int64 if jax.config.read('jax_enable_x64') else jnp.int32)
    # per module __init__: embedding weight initialized to zeros, embedding_dim=1
    witness_weight = jnp.zeros((NUM_IDS, 1), dtype=jnp.float32)
    return {"witness_ids": witness_ids, "witness_weight": witness_weight}

def reference(witness_ids, witness_weight):
    # w = self.witness(witness_ids)
    w = jnp.take(witness_weight, witness_ids, axis=0)  # [B, 1]
    # return w - w.detach()
    return w - jax.lax.stop_gradient(w)

if __name__ == "__main__":
    import jax
    _d = setup_inputs()
    print(jax.jit(kernel)(*tuple(_d.values())))

</pallas_src>

<mosaic_0001>
#map = affine_map<(d0, d1) -> (0)>
module attributes {stable_mosaic.version = 14 : i64} {
  func.func @lookup(%arg0: i32, %arg1: i32, %arg2: memref<16384xi32, #tpu.memory_space<hbm>>, %arg3: memref<1000000xf32, #tpu.memory_space<hbm>>, %arg4: memref<16384xf32, #tpu.memory_space<hbm>>, %arg5: memref<1024xi32, #tpu.memory_space<vmem>>, %arg6: memref<1024xf32, #tpu.memory_space<vmem>>, %arg7: memref<!tpu.dma_semaphore, #tpu.memory_space<semaphore_mem>>, %arg8: memref<!tpu.dma_semaphore, #tpu.memory_space<semaphore_mem>>, %arg9: memref<!tpu.dma_semaphore, #tpu.memory_space<semaphore_mem>>, %arg10: memref<!tpu.dma_semaphore, #tpu.memory_space<semaphore_mem>>, %arg11: memref<!tpu.dma_semaphore, #tpu.memory_space<semaphore_mem>>, %arg12: memref<!tpu.dma_semaphore, #tpu.memory_space<semaphore_mem>>) attributes {dimension_semantics = [#tpu.dimension_semantics<core_parallel>, #tpu.dimension_semantics<subcore_parallel>], iteration_bounds = array<i64: 1, 16>, scalar_prefetch = 0 : i64, scratch_operands = 8 : i64, tpu.core_type = #tpu.core_type<sc_vector_subcore>, window_params = [{transform_indices = #map}, {transform_indices = #map}, {transform_indices = #map}]} {
    %mul3A = arith.constant 1024 : i32
    %mul3A_0 = arith.muli %arg1, %mul3A : i32
    %add3A = arith.constant 0 : i32
    %add3A_1 = arith.addi %mul3A_0, %add3A : i32
    %dma_start3A = arith.constant 0 : i32
    %dma_start3A_2 = tpu.memref_slice %arg5[%dma_start3A] : memref<1024xi32, #tpu.memory_space<vmem>> -> memref<512xi32, #tpu.memory_space<vmem>>
    %dma_start3A_3 = tpu.memref_slice %arg2[%add3A_1] : memref<16384xi32, #tpu.memory_space<hbm>> -> memref<512xi32, #tpu.memory_space<hbm>>
    %dma_start3A_4 = arith.constant 0 : i32
    %dma_start3A_5 = tpu.memref_slice %arg5[%dma_start3A_4] : memref<1024xi32, #tpu.memory_space<vmem>> -> memref<512xi32, #tpu.memory_space<vmem>>
    %dma_start3A_6 = tpu.memref_slice %arg2[%add3A_1] : memref<16384xi32, #tpu.memory_space<hbm>> -> memref<512xi32, #tpu.memory_space<hbm>>
    tpu.enqueue_dma source(%dma_start3A_6 : memref<512xi32, #tpu.memory_space<hbm>>) target(%dma_start3A_5 : memref<512xi32, #tpu.memory_space<vmem>>) target_semaphore(%arg7 : memref<!tpu.dma_semaphore, #tpu.memory_space<semaphore_mem>>)
    %add3A_7 = arith.constant 512 : i32
    %add3A_8 = arith.addi %mul3A_0, %add3A_7 : i32
    %dma_start3A_9 = arith.constant 512 : i32
    %dma_start3A_10 = tpu.memref_slice %arg5[%dma_start3A_9] : memref<1024xi32, #tpu.memory_space<vmem>> -> memref<512xi32, #tpu.memory_space<vmem>>
    %dma_start3A_11 = tpu.memref_slice %arg2[%add3A_8] : memref<16384xi32, #tpu.memory_space<hbm>> -> memref<512xi32, #tpu.memory_space<hbm>>
    %dma_start3A_12 = arith.constant 512 : i32
    %dma_start3A_13 = tpu.memref_slice %arg5[%dma_start3A_12] : memref<1024xi32, #tpu.memory_space<vmem>> -> memref<512xi32, #tpu.memory_space<vmem>>
    %dma_start3A_14 = tpu.memref_slice %arg2[%add3A_8] : memref<16384xi32, #tpu.memory_space<hbm>> -> memref<512xi32, #tpu.memory_space<hbm>>
    tpu.enqueue_dma source(%dma_start3A_14 : memref<512xi32, #tpu.memory_space<hbm>>) target(%dma_start3A_13 : memref<512xi32, #tpu.memory_space<vmem>>) target_semaphore(%arg8 : memref<!tpu.dma_semaphore, #tpu.memory_space<semaphore_mem>>)
    %dma_wait3A = arith.constant 0 : i32
    %dma_wait3A_15 = tpu.memref_slice %arg5[%dma_wait3A] : memref<1024xi32, #tpu.memory_space<vmem>> -> memref<512xi32, #tpu.memory_space<vmem>>
    %dma_wait3A_16 = tpu.memref_slice %arg2[%add3A_1] : memref<16384xi32, #tpu.memory_space<hbm>> -> memref<512xi32, #tpu.memory_space<hbm>>
    %dma_wait3A_17 = arith.constant 0 : i32
    %dma_wait3A_18 = tpu.memref_slice %arg5[%dma_wait3A_17] : memref<1024xi32, #tpu.memory_space<vmem>> -> memref<512xi32, #tpu.memory_space<vmem>>
    %dma_wait3A_19 = tpu.memref_slice %arg2[%add3A_1] : memref<16384xi32, #tpu.memory_space<hbm>> -> memref<512xi32, #tpu.memory_space<hbm>>
    tpu.wait_dma2 semaphore(%arg7 : memref<!tpu.dma_semaphore, #tpu.memory_space<semaphore_mem>>) src(%dma_wait3A_19 : memref<512xi32, #tpu.memory_space<hbm>>) dst(%dma_wait3A_18 : memref<512xi32, #tpu.memory_space<vmem>>)
    %dma_start3A_20 = arith.constant 0 : i32
    %dma_start3A_21 = tpu.memref_slice %arg6[%dma_start3A_20] : memref<1024xf32, #tpu.memory_space<vmem>> -> memref<512xf32, #tpu.memory_space<vmem>>
    %dma_start3A_22 = arith.constant 0 : i32
    %dma_start3A_23 = tpu.memref_slice %arg5[%dma_start3A_22] : memref<1024xi32, #tpu.memory_space<vmem>> -> memref<512xi32, #tpu.memory_space<vmem>>
    %dma_start3A_24 = arith.constant 0 : i32
    %dma_start3A_25 = tpu.memref_slice %arg3[%dma_start3A_24] : memref<1000000xf32, #tpu.memory_space<hbm>> -> memref<1000000xf32, #tpu.memory_space<hbm>>
    tpu.enqueue_indirect_dma source(%dma_start3A_25 : memref<1000000xf32, #tpu.memory_space<hbm>>) target(%dma_start3A_21 : memref<512xf32, #tpu.memory_space<vmem>>) offsets(%dma_start3A_23 : memref<512xi32, #tpu.memory_space<vmem>>) semaphore(%arg9 : memref<!tpu.dma_semaphore, #tpu.memory_space<semaphore_mem>>)
    %dma_wait3A_26 = arith.constant 512 : i32
    %dma_wait3A_27 = tpu.memref_slice %arg5[%dma_wait3A_26] : memref<1024xi32, #tpu.memory_space<vmem>> -> memref<512xi32, #tpu.memory_space<vmem>>
    %dma_wait3A_28 = tpu.memref_slice %arg2[%add3A_8] : memref<16384xi32, #tpu.memory_space<hbm>> -> memref<512xi32, #tpu.memory_space<hbm>>
    %dma_wait3A_29 = arith.constant 512 : i32
    %dma_wait3A_30 = tpu.memref_slice %arg5[%dma_wait3A_29] : memref<1024xi32, #tpu.memory_space<vmem>> -> memref<512xi32, #tpu.memory_space<vmem>>
    %dma_wait3A_31 = tpu.memref_slice %arg2[%add3A_8] : memref<16384xi32, #tpu.memory_space<hbm>> -> memref<512xi32, #tpu.memory_space<hbm>>
    tpu.wait_dma2 semaphore(%arg8 : memref<!tpu.dma_semaphore, #tpu.memory_space<semaphore_mem>>) src(%dma_wait3A_31 : memref<512xi32, #tpu.memory_space<hbm>>) dst(%dma_wait3A_30 : memref<512xi32, #tpu.memory_space<vmem>>)
    %dma_start3A_32 = arith.constant 512 : i32
    %dma_start3A_33 = tpu.memref_slice %arg6[%dma_start3A_32] : memref<1024xf32, #tpu.memory_space<vmem>> -> memref<512xf32, #tpu.memory_space<vmem>>
    %dma_start3A_34 = arith.constant 512 : i32
    %dma_start3A_35 = tpu.memref_slice %arg5[%dma_start3A_34] : memref<1024xi32, #tpu.memory_space<vmem>> -> memref<512xi32, #tpu.memory_space<vmem>>
    %dma_start3A_36 = arith.constant 0 : i32
    %dma_start3A_37 = tpu.memref_slice %arg3[%dma_start3A_36] : memref<1000000xf32, #tpu.memory_space<hbm>> -> memref<1000000xf32, #tpu.memory_space<hbm>>
    tpu.enqueue_indirect_dma source(%dma_start3A_37 : memref<1000000xf32, #tpu.memory_space<hbm>>) target(%dma_start3A_33 : memref<512xf32, #tpu.memory_space<vmem>>) offsets(%dma_start3A_35 : memref<512xi32, #tpu.memory_space<vmem>>) semaphore(%arg10 : memref<!tpu.dma_semaphore, #tpu.memory_space<semaphore_mem>>)
    %dma_wait3A_38 = arith.constant 0 : i32
    %dma_wait3A_39 = tpu.memref_slice %arg6[%dma_wait3A_38] : memref<1024xf32, #tpu.memory_space<vmem>> -> memref<512xf32, #tpu.memory_space<vmem>>
    %dma_wait3A_40 = arith.constant 0 : i32
    %dma_wait3A_41 = tpu.memref_slice %arg5[%dma_wait3A_40] : memref<1024xi32, #tpu.memory_space<vmem>> -> memref<512xi32, #tpu.memory_space<vmem>>
    %dma_wait3A_42 = arith.constant 0 : i32
    %dma_wait3A_43 = tpu.memref_slice %arg3[%dma_wait3A_42] : memref<1000000xf32, #tpu.memory_space<hbm>> -> memref<1000000xf32, #tpu.memory_space<hbm>>
    tpu.wait_indirect_dma semaphore(%arg9 : memref<!tpu.dma_semaphore, #tpu.memory_space<semaphore_mem>>) src(%dma_wait3A_43 : memref<1000000xf32, #tpu.memory_space<hbm>>) dst(%dma_wait3A_39 : memref<512xf32, #tpu.memory_space<vmem>>)
    %get3A = arith.constant 0 : index
    %get3A_44 = tpu.vector_load %arg6[%get3A] {strides = array<i32>} : memref<1024xf32, #tpu.memory_space<vmem>>, vector<16xf32>,
    %get3A_45 = vector.shape_cast %get3A_44 : vector<16xf32> to vector<16xf32>
    %sub3A = arith.subf %get3A_45, %get3A_45 : vector<16xf32>
    %swap3A = arith.constant 0 : index
    %swap3A_46 = tpu.vector_load %arg6[%swap3A] {strides = array<i32>} : memref<1024xf32, #tpu.memory_space<vmem>>, vector<16xf32>,
    %swap3A_47 = vector.shape_cast %swap3A_46 : vector<16xf32> to vector<16xf32>
    %swap3A_48 = vector.shape_cast %sub3A : vector<16xf32> to vector<16xf32>
    tpu.vector_store %arg6[%swap3A], %swap3A_48 {strides = array<i32>} : memref<1024xf32, #tpu.memory_space<vmem>>, vector<16xf32>,
    %get3A_49 = arith.constant 16 : index
    %get3A_50 = tpu.vector_load %arg6[%get3A_49] {strides = array<i32>} : memref<1024xf32, #tpu.memory_space<vmem>>, vector<16xf32>,
    %get3A_51 = vector.shape_cast %get3A_50 : vector<16xf32> to vector<16xf32>
    %sub3A_52 = arith.subf %get3A_51, %get3A_51 : vector<16xf32>
    %swap3A_53 = arith.constant 16 : index
    %swap3A_54 = tpu.vector_load %arg6[%swap3A_53] {strides = array<i32>} : memref<1024xf32, #tpu.memory_space<vmem>>, vector<16xf32>,
    %swap3A_55 = vector.shape_cast %swap3A_54 : vector<16xf32> to vector<16xf32>
    %swap3A_56 = vector.shape_cast %sub3A_52 : vector<16xf32> to vector<16xf32>
    tpu.vector_store %arg6[%swap3A_53], %swap3A_56 {strides = array<i32>} : memref<1024xf32, #tpu.memory_space<vmem>>, vector<16xf32>,
    %get3A_57 = arith.constant 32 : index
    %get3A_58 = tpu.vector_load %arg6[%get3A_57] {strides = array<i32>} : memref<1024xf32, #tpu.memory_space<vmem>>, vector<16xf32>,
    %get3A_59 = vector.shape_cast %get3A_58 : vector<16xf32> to vector<16xf32>
    %sub3A_60 = arith.subf %get3A_59, %get3A_59 : vector<16xf32>
    %swap3A_61 = arith.constant 32 : index
    %swap3A_62 = tpu.vector_load %arg6[%swap3A_61] {strides = array<i32>} : memref<1024xf32, #tpu.memory_space<vmem>>, vector<16xf32>,
    %swap3A_63 = vector.shape_cast %swap3A_62 : vector<16xf32> to vector<16xf32>
    %swap3A_64 = vector.shape_cast %sub3A_60 : vector<16xf32> to vector<16xf32>
    tpu.vector_store %arg6[%swap3A_61], %swap3A_64 {strides = array<i32>} : memref<1024xf32, #tpu.memory_space<vmem>>, vector<16xf32>,
    %get3A_65 = arith.constant 48 : index
    %get3A_66 = tpu.vector_load %arg6[%get3A_65] {strides = array<i32>} : memref<1024xf32, #tpu.memory_space<vmem>>, vector<16xf32>,
    %get3A_67 = vector.shape_cast %get3A_66 : vector<16xf32> to vector<16xf32>
    %sub3A_68 = arith.subf %get3A_67, %get3A_67 : vector<16xf32>
    %swap3A_69 = arith.constant 48 : index
    %swap3A_70 = tpu.vector_load %arg6[%swap3A_69] {strides = array<i32>} : memref<1024xf32, #tpu.memory_space<vmem>>, vector<16xf32>,
    %swap3A_71 = vector.shape_cast %swap3A_70 : vector<16xf32> to vector<16xf32>
    %swap3A_72 = vector.shape_cast %sub3A_68 : vector<16xf32> to vector<16xf32>
    tpu.vector_store %arg6[%swap3A_69], %swap3A_72 {strides = array<i32>} : memref<1024xf32, #tpu.memory_space<vmem>>, vector<16xf32>,
    %get3A_73 = arith.constant 64 : index
    %get3A_74 = tpu.vector_load %arg6[%get3A_73] {strides = array<i32>} : memref<1024xf32, #tpu.memory_space<vmem>>, vector<16xf32>,
    %get3A_75 = vector.shape_cast %get3A_74 : vector<16xf32> to vector<16xf32>
    %sub3A_76 = arith.subf %get3A_75, %get3A_75 : vector<16xf32>
    %swap3A_77 = arith.constant 64 : index
    %swap3A_78 = tpu.vector_load %arg6[%swap3A_77] {strides = array<i32>} : memref<1024xf32, #tpu.memory_space<vmem>>, vector<16xf32>,
    %swap3A_79 = vector.shape_cast %swap3A_78 : vector<16xf32> to vector<16xf32>
    %swap3A_80 = vector.shape_cast %sub3A_76 : vector<16xf32> to vector<16xf32>
    tpu.vector_store %arg6[%swap3A_77], %swap3A_80 {strides = array<i32>} : memref<1024xf32, #tpu.memory_space<vmem>>, vector<16xf32>,
    %get3A_81 = arith.constant 80 : index
    %get3A_82 = tpu.vector_load %arg6[%get3A_81] {strides = array<i32>} : memref<1024xf32, #tpu.memory_space<vmem>>, vector<16xf32>,
    %get3A_83 = vector.shape_cast %get3A_82 : vector<16xf32> to vector<16xf32>
    %sub3A_84 = arith.subf %get3A_83, %get3A_83 : vector<16xf32>
    %swap3A_85 = arith.constant 80 : index
    %swap3A_86 = tpu.vector_load %arg6[%swap3A_85] {strides = array<i32>} : memref<1024xf32, #tpu.memory_space<vmem>>, vector<16xf32>,
    %swap3A_87 = vector.shape_cast %swap3A_86 : vector<16xf32> to vector<16xf32>
    %swap3A_88 = vector.shape_cast %sub3A_84 : vector<16xf32> to vector<16xf32>
    tpu.vector_store %arg6[%swap3A_85], %swap3A_88 {strides = array<i32>} : memref<1024xf32, #tpu.memory_space<vmem>>, vector<16xf32>,
    %get3A_89 = arith.constant 96 : index
    %get3A_90 = tpu.vector_load %arg6[%get3A_89] {strides = array<i32>} : memref<1024xf32, #tpu.memory_space<vmem>>, vector<16xf32>,
    %get3A_91 = vector.shape_cast %get3A_90 : vector<16xf32> to vector<16xf32>
    %sub3A_92 = arith.subf %get3A_91, %get3A_91 : vector<16xf32>
    %swap3A_93 = arith.constant 96 : index
    %swap3A_94 = tpu.vector_load %arg6[%swap3A_93] {strides = array<i32>} : memref<1024xf32, #tpu.memory_space<vmem>>, vector<16xf32>,
    %swap3A_95 = vector.shape_cast %swap3A_94 : vector<16xf32> to vector<16xf32>
    %swap3A_96 = vector.shape_cast %sub3A_92 : vector<16xf32> to vector<16xf32>
    tpu.vector_store %arg6[%swap3A_93], %swap3A_96 {strides = array<i32>} : memref<1024xf32, #tpu.memory_space<vmem>>, vector<16xf32>,
    %get3A_97 = arith.constant 112 : index
    %get3A_98 = tpu.vector_load %arg6[%get3A_97] {strides = array<i32>} : memref<1024xf32, #tpu.memory_space<vmem>>, vector<16xf32>,
    %get3A_99 = vector.shape_cast %get3A_98 : vector<16xf32> to vector<16xf32>
    %sub3A_100 = arith.subf %get3A_99, %get3A_99 : vector<16xf32>
    %swap3A_101 = arith.constant 112 : index
    %swap3A_102 = tpu.vector_load %arg6[%swap3A_101] {strides = array<i32>} : memref<1024xf32, #tpu.memory_space<vmem>>, vector<16xf32>,
    %swap3A_103 = vector.shape_cast %swap3A_102 : vector<16xf32> to vector<16xf32>
    %swap3A_104 = vector.shape_cast %sub3A_100 : vector<16xf32> to vector<16xf32>
    tpu.vector_store %arg6[%swap3A_101], %swap3A_104 {strides = array<i32>} : memref<1024xf32, #tpu.memory_space<vmem>>, vector<16xf32>,
    %get3A_105 = arith.constant 128 : index
    %get3A_106 = tpu.vector_load %arg6[%get3A_105] {strides = array<i32>} : memref<1024xf32, #tpu.memory_space<vmem>>, vector<16xf32>,
    %get3A_107 = vector.shape_cast %get3A_106 : vector<16xf32> to vector<16xf32>
    %sub3A_108 = arith.subf %get3A_107, %get3A_107 : vector<16xf32>
    %swap3A_109 = arith.constant 128 : index
    %swap3A_110 = tpu.vector_load %arg6[%swap3A_109] {strides = array<i32>} : memref<1024xf32, #tpu.memory_space<vmem>>, vector<16xf32>,
    %swap3A_111 = vector.shape_cast %swap3A_110 : vector<16xf32> to vector<16xf32>
    %swap3A_112 = vector.shape_cast %sub3A_108 : vector<16xf32> to vector<16xf32>
    tpu.vector_store %arg6[%swap3A_109], %swap3A_112 {strides = array<i32>} : memref<1024xf32, #tpu.memory_space<vmem>>, vector<16xf32>,
    %get3A_113 = arith.constant 144 : index
    %get3A_114 = tpu.vector_load %arg6[%get3A_113] {strides = array<i32>} : memref<1024xf32, #tpu.memory_space<vmem>>, vector<16xf32>,
    %get3A_115 = vector.shape_cast %get3A_114 : vector<16xf32> to vector<16xf32>
    %sub3A_116 = arith.subf %get3A_115, %get3A_115 : vector<16xf32>
    %swap3A_117 = arith.constant 144 : index
    %swap3A_118 = tpu.vector_load %arg6[%swap3A_117] {strides = array<i32>} : memref<1024xf32, #tpu.memory_space<vmem>>, vector<16xf32>,
    %swap3A_119 = vector.shape_cast %swap3A_118 : vector<16xf32> to vector<16xf32>
    %swap3A_120 = vector.shape_cast %sub3A_116 : vector<16xf32> to vector<16xf32>
    tpu.vector_store %arg6[%swap3A_117], %swap3A_120 {strides = array<i32>} : memref<1024xf32, #tpu.memory_space<vmem>>, vector<16xf32>,
    %get3A_121 = arith.constant 160 : index
    %get3A_122 = tpu.vector_load %arg6[%get3A_121] {strides = array<i32>} : memref<1024xf32, #tpu.memory_space<vmem>>, vector<16xf32>,
    %get3A_123 = vector.shape_cast %get3A_122 : vector<16xf32> to vector<16xf32>
    %sub3A_124 = arith.subf %get3A_123, %get3A_123 : vector<16xf32>
    %swap3A_125 = arith.constant 160 : index
    %swap3A_126 = tpu.vector_load %arg6[%swap3A_125] {strides = array<i32>} : memref<1024xf32, #tpu.memory_space<vmem>>, vector<16xf32>,
    %swap3A_127 = vector.shape_cast %swap3A_126 : vector<16xf32> to vector<16xf32>
    %swap3A_128 = vector.shape_cast %sub3A_124 : vector<16xf32> to vector<16xf32>
    tpu.vector_store %arg6[%swap3A_125], %swap3A_128 {strides = array<i32>} : memref<1024xf32, #tpu.memory_space<vmem>>, vector<16xf32>,
    %get3A_129 = arith.constant 176 : index
    %get3A_130 = tpu.vector_load %arg6[%get3A_129] {strides = array<i32>} : memref<1024xf32, #tpu.memory_space<vmem>>, vector<16xf32>,
    %get3A_131 = vector.shape_cast %get3A_130 : vector<16xf32> to vector<16xf32>
    %sub3A_132 = arith.subf %get3A_131, %get3A_131 : vector<16xf32>
    %swap3A_133 = arith.constant 176 : index
    %swap3A_134 = tpu.vector_load %arg6[%swap3A_133] {strides = array<i32>} : memref<1024xf32, #tpu.memory_space<vmem>>, vector<16xf32>,
    %swap3A_135 = vector.shape_cast %swap3A_134 : vector<16xf32> to vector<16xf32>
    %swap3A_136 = vector.shape_cast %sub3A_132 : vector<16xf32> to vector<16xf32>
    tpu.vector_store %arg6[%swap3A_133], %swap3A_136 {strides = array<i32>} : memref<1024xf32, #tpu.memory_space<vmem>>, vector<16xf32>,
    %get3A_137 = arith.constant 192 : index
    %get3A_138 = tpu.vector_load %arg6[%get3A_137] {strides = array<i32>} : memref<1024xf32, #tpu.memory_space<vmem>>, vector<16xf32>,
    %get3A_139 = vector.shape_cast %get3A_138 : vector<16xf32> to vector<16xf32>
    %sub3A_140 = arith.subf %get3A_139, %get3A_139 : vector<16xf32>
    %swap3A_141 = arith.constant 192 : index
    %swap3A_142 = tpu.vector_load %arg6[%swap3A_141] {strides = array<i32>} : memref<1024xf32, #tpu.memory_space<vmem>>, vector<16xf32>,
    %swap3A_143 = vector.shape_cast %swap3A_142 : vector<16xf32> to vector<16xf32>
    %swap3A_144 = vector.shape_cast %sub3A_140 : vector<16xf32> to vector<16xf32>
    tpu.vector_store %arg6[%swap3A_141], %swap3A_144 {strides = array<i32>} : memref<1024xf32, #tpu.memory_space<vmem>>, vector<16xf32>,
    %get3A_145 = arith.constant 208 : index
    %get3A_146 = tpu.vector_load %arg6[%get3A_145] {strides = array<i32>} : memref<1024xf32, #tpu.memory_space<vmem>>, vector<16xf32>,
    %get3A_147 = vector.shape_cast %get3A_146 : vector<16xf32> to vector<16xf32>
    %sub3A_148 = arith.subf %get3A_147, %get3A_147 : vector<16xf32>
    %swap3A_149 = arith.constant 208 : index
    %swap3A_150 = tpu.vector_load %arg6[%swap3A_149] {strides = array<i32>} : memref<1024xf32, #tpu.memory_space<vmem>>, vector<16xf32>,
    %swap3A_151 = vector.shape_cast %swap3A_150 : vector<16xf32> to vector<16xf32>
    %swap3A_152 = vector.shape_cast %sub3A_148 : vector<16xf32> to vector<16xf32>
    tpu.vector_store %arg6[%swap3A_149], %swap3A_152 {strides = array<i32>} : memref<1024xf32, #tpu.memory_space<vmem>>, vector<16xf32>,
    %get3A_153 = arith.constant 224 : index
    %get3A_154 = tpu.vector_load %arg6[%get3A_153] {strides = array<i32>} : memref<1024xf32, #tpu.memory_space<vmem>>, vector<16xf32>,
    %get3A_155 = vector.shape_cast %get3A_154 : vector<16xf32> to vector<16xf32>
    %sub3A_156 = arith.subf %get3A_155, %get3A_155 : vector<16xf32>
    %swap3A_157 = arith.constant 224 : index
    %swap3A_158 = tpu.vector_load %arg6[%swap3A_157] {strides = array<i32>} : memref<1024xf32, #tpu.memory_space<vmem>>, vector<16xf32>,
    %swap3A_159 = vector.shape_cast %swap3A_158 : vector<16xf32> to vector<16xf32>
    %swap3A_160 = vector.shape_cast %sub3A_156 : vector<16xf32> to vector<16xf32>
    tpu.vector_store %arg6[%swap3A_157], %swap3A_160 {strides = array<i32>} : memref<1024xf32, #tpu.memory_space<vmem>>, vector<16xf32>,
    %get3A_161 = arith.constant 240 : index
    %get3A_162 = tpu.vector_load %arg6[%get3A_161] {strides = array<i32>} : memref<1024xf32, #tpu.memory_space<vmem>>, vector<16xf32>,
    %get3A_163 = vector.shape_cast %get3A_162 : vector<16xf32> to vector<16xf32>
    %sub3A_164 = arith.subf %get3A_163, %get3A_163 : vector<16xf32>
    %swap3A_165 = arith.constant 240 : index
    %swap3A_166 = tpu.vector_load %arg6[%swap3A_165] {strides = array<i32>} : memref<1024xf32, #tpu.memory_space<vmem>>, vector<16xf32>,
    %swap3A_167 = vector.shape_cast %swap3A_166 : vector<16xf32> to vector<16xf32>
    %swap3A_168 = vector.shape_cast %sub3A_164 : vector<16xf32> to vector<16xf32>
    tpu.vector_store %arg6[%swap3A_165], %swap3A_168 {strides = array<i32>} : memref<1024xf32, #tpu.memory_space<vmem>>, vector<16xf32>,
    %get3A_169 = arith.constant 256 : index
    %get3A_170 = tpu.vector_load %arg6[%get3A_169] {strides = array<i32>} : memref<1024xf32, #tpu.memory_space<vmem>>, vector<16xf32>,
    %get3A_171 = vector.shape_cast %get3A_170 : vector<16xf32> to vector<16xf32>
    %sub3A_172 = arith.subf %get3A_171, %get3A_171 : vector<16xf32>
    %swap3A_173 = arith.constant 256 : index
    %swap3A_174 = tpu.vector_load %arg6[%swap3A_173] {strides = array<i32>} : memref<1024xf32, #tpu.memory_space<vmem>>, vector<16xf32>,
    %swap3A_175 = vector.shape_cast %swap3A_174 : vector<16xf32> to vector<16xf32>
    %swap3A_176 = vector.shape_cast %sub3A_172 : vector<16xf32> to vector<16xf32>
    tpu.vector_store %arg6[%swap3A_173], %swap3A_176 {strides = array<i32>} : memref<1024xf32, #tpu.memory_space<vmem>>, vector<16xf32>,
    %get3A_177 = arith.constant 272 : index
    %get3A_178 = tpu.vector_load %arg6[%get3A_177] {strides = array<i32>} : memref<1024xf32, #tpu.memory_space<vmem>>, vector<16xf32>,
    %get3A_179 = vector.shape_cast %get3A_178 : vector<16xf32> to vector<16xf32>
    %sub3A_180 = arith.subf %get3A_179, %get3A_179 : vector<16xf32>
    %swap3A_181 = arith.constant 272 : index
    %swap3A_182 = tpu.vector_load %arg6[%swap3A_181] {strides = array<i32>} : memref<1024xf32, #tpu.memory_space<vmem>>, vector<16xf32>,
    %swap3A_183 = vector.shape_cast %swap3A_182 : vector<16xf32> to vector<16xf32>
    %swap3A_184 = vector.shape_cast %sub3A_180 : vector<16xf32> to vector<16xf32>
    tpu.vector_store %arg6[%swap3A_181], %swap3A_184 {strides = array<i32>} : memref<1024xf32, #tpu.memory_space<vmem>>, vector<16xf32>,
    %get3A_185 = arith.constant 288 : index
    %get3A_186 = tpu.vector_load %arg6[%get3A_185] {strides = array<i32>} : memref<1024xf32, #tpu.memory_space<vmem>>, vector<16xf32>,
    %get3A_187 = vector.shape_cast %get3A_186 : vector<16xf32> to vector<16xf32>
    %sub3A_188 = arith.subf %get3A_187, %get3A_187 : vector<16xf32>
    %swap3A_189 = arith.constant 288 : index
    %swap3A_190 = tpu.vector_load %arg6[%swap3A_189] {strides = array<i32>} : memref<1024xf32, #tpu.memory_space<vmem>>, vector<16xf32>,
    %swap3A_191 = vector.shape_cast %swap3A_190 : vector<16xf32> to vector<16xf32>
    %swap3A_192 = vector.shape_cast %sub3A_188 : vector<16xf32> to vector<16xf32>
    tpu.vector_store %arg6[%swap3A_189], %swap3A_192 {strides = array<i32>} : memref<1024xf32, #tpu.memory_space<vmem>>, vector<16xf32>,
    %get3A_193 = arith.constant 304 : index
    %get3A_194 = tpu.vector_load %arg6[%get3A_193] {strides = array<i32>} : memref<1024xf32, #tpu.memory_space<vmem>>, vector<16xf32>,
    %get3A_195 = vector.shape_cast %get3A_194 : vector<16xf32> to vector<16xf32>
    %sub3A_196 = arith.subf %get3A_195, %get3A_195 : vector<16xf32>
    %swap3A_197 = arith.constant 304 : index
    %swap3A_198 = tpu.vector_load %arg6[%swap3A_197] {strides = array<i32>} : memref<1024xf32, #tpu.memory_space<vmem>>, vector<16xf32>,
    %swap3A_199 = vector.shape_cast %swap3A_198 : vector<16xf32> to vector<16xf32>
    %swap3A_200 = vector.shape_cast %sub3A_196 : vector<16xf32> to vector<16xf32>
    tpu.vector_store %arg6[%swap3A_197], %swap3A_200 {strides = array<i32>} : memref<1024xf32, #tpu.memory_space<vmem>>, vector<16xf32>,
    %get3A_201 = arith.constant 320 : index
    %get3A_202 = tpu.vector_load %arg6[%get3A_201] {strides = array<i32>} : memref<1024xf32, #tpu.memory_space<vmem>>, vector<16xf32>,
    %get3A_203 = vector.shape_cast %get3A_202 : vector<16xf32> to vector<16xf32>
    %sub3A_204 = arith.subf %get3A_203, %get3A_203 : vector<16xf32>
    %swap3A_205 = arith.constant 320 : index
    %swap3A_206 = tpu.vector_load %arg6[%swap3A_205] {strides = array<i32>} : memref<1024xf32, #tpu.memory_space<vmem>>, vector<16xf32>,
    %swap3A_207 = vector.shape_cast %swap3A_206 : vector<16xf32> to vector<16xf32>
    %swap3A_208 = vector.shape_cast %sub3A_204 : vector<16xf32> to vector<16xf32>
    tpu.vector_store %arg6[%swap3A_205], %swap3A_208 {strides = array<i32>} : memref<1024xf32, #tpu.memory_space<vmem>>, vector<16xf32>,
    %get3A_209 = arith.constant 336 : index
    %get3A_210 = tpu.vector_load %arg6[%get3A_209] {strides = array<i32>} : memref<1024xf32, #tpu.memory_space<vmem>>, vector<16xf32>,
    %get3A_211 = vector.shape_cast %get3A_210 : vector<16xf32> to vector<16xf32>
    %sub3A_212 = arith.subf %get3A_211, %get3A_211 : vector<16xf32>
    %swap3A_213 = arith.constant 336 : index
    %swap3A_214 = tpu.vector_load %arg6[%swap3A_213] {strides = array<i32>} : memref<1024xf32, #tpu.memory_space<vmem>>, vector<16xf32>,
    %swap3A_215 = vector.shape_cast %swap3A_214 : vector<16xf32> to vector<16xf32>
    %swap3A_216 = vector.shape_cast %sub3A_212 : vector<16xf32> to vector<16xf32>
    tpu.vector_store %arg6[%swap3A_213], %swap3A_216 {strides = array<i32>} : memref<1024xf32, #tpu.memory_space<vmem>>, vector<16xf32>,
    %get3A_217 = arith.constant 352 : index
    %get3A_218 = tpu.vector_load %arg6[%get3A_217] {strides = array<i32>} : memref<1024xf32, #tpu.memory_space<vmem>>, vector<16xf32>,
    %get3A_219 = vector.shape_cast %get3A_218 : vector<16xf32> to vector<16xf32>
    %sub3A_220 = arith.subf %get3A_219, %get3A_219 : vector<16xf32>
    %swap3A_221 = arith.constant 352 : index
    %swap3A_222 = tpu.vector_load %arg6[%swap3A_221] {strides = array<i32>} : memref<1024xf32, #tpu.memory_space<vmem>>, vector<16xf32>,
    %swap3A_223 = vector.shape_cast %swap3A_222 : vector<16xf32> to vector<16xf32>
    %swap3A_224 = vector.shape_cast %sub3A_220 : vector<16xf32> to vector<16xf32>
    tpu.vector_store %arg6[%swap3A_221], %swap3A_224 {strides = array<i32>} : memref<1024xf32, #tpu.memory_space<vmem>>, vector<16xf32>,
    %get3A_225 = arith.constant 368 : index
    %get3A_226 = tpu.vector_load %arg6[%get3A_225] {strides = array<i32>} : memref<1024xf32, #tpu.memory_space<vmem>>, vector<16xf32>,
    %get3A_227 = vector.shape_cast %get3A_226 : vector<16xf32> to vector<16xf32>
    %sub3A_228 = arith.subf %get3A_227, %get3A_227 : vector<16xf32>
    %swap3A_229 = arith.constant 368 : index
    %swap3A_230 = tpu.vector_load %arg6[%swap3A_229] {strides = array<i32>} : memref<1024xf32, #tpu.memory_space<vmem>>, vector<16xf32>,
    %swap3A_231 = vector.shape_cast %swap3A_230 : vector<16xf32> to vector<16xf32>
    %swap3A_232 = vector.shape_cast %sub3A_228 : vector<16xf32> to vector<16xf32>
    tpu.vector_store %arg6[%swap3A_229], %swap3A_232 {strides = array<i32>} : memref<1024xf32, #tpu.memory_space<vmem>>, vector<16xf32>,
    %get3A_233 = arith.constant 384 : index
    %get3A_234 = tpu.vector_load %arg6[%get3A_233] {strides = array<i32>} : memref<1024xf32, #tpu.memory_space<vmem>>, vector<16xf32>,
    %get3A_235 = vector.shape_cast %get3A_234 : vector<16xf32> to vector<16xf32>
    %sub3A_236 = arith.subf %get3A_235, %get3A_235 : vector<16xf32>
    %swap3A_237 = arith.constant 384 : index
    %swap3A_238 = tpu.vector_load %arg6[%swap3A_237] {strides = array<i32>} : memref<1024xf32, #tpu.memory_space<vmem>>, vector<16xf32>,
    %swap3A_239 = vector.shape_cast %swap3A_238 : vector<16xf32> to vector<16xf32>
    %swap3A_240 = vector.shape_cast %sub3A_236 : vector<16xf32> to vector<16xf32>
    tpu.vector_store %arg6[%swap3A_237], %swap3A_240 {strides = array<i32>} : memref<1024xf32, #tpu.memory_space<vmem>>, vector<16xf32>,
    %get3A_241 = arith.constant 400 : index
    %get3A_242 = tpu.vector_load %arg6[%get3A_241] {strides = array<i32>} : memref<1024xf32, #tpu.memory_space<vmem>>, vector<16xf32>,
    %get3A_243 = vector.shape_cast %get3A_242 : vector<16xf32> to vector<16xf32>
    %sub3A_244 = arith.subf %get3A_243, %get3A_243 : vector<16xf32>
    %swap3A_245 = arith.constant 400 : index
    %swap3A_246 = tpu.vector_load %arg6[%swap3A_245] {strides = array<i32>} : memref<1024xf32, #tpu.memory_space<vmem>>, vector<16xf32>,
    %swap3A_247 = vector.shape_cast %swap3A_246 : vector<16xf32> to vector<16xf32>
    %swap3A_248 = vector.shape_cast %sub3A_244 : vector<16xf32> to vector<16xf32>
    tpu.vector_store %arg6[%swap3A_245], %swap3A_248 {strides = array<i32>} : memref<1024xf32, #tpu.memory_space<vmem>>, vector<16xf32>,
    %get3A_249 = arith.constant 416 : index
    %get3A_250 = tpu.vector_load %arg6[%get3A_249] {strides = array<i32>} : memref<1024xf32, #tpu.memory_space<vmem>>, vector<16xf32>,
    %get3A_251 = vector.shape_cast %get3A_250 : vector<16xf32> to vector<16xf32>
    %sub3A_252 = arith.subf %get3A_251, %get3A_251 : vector<16xf32>
    %swap3A_253 = arith.constant 416 : index
    %swap3A_254 = tpu.vector_load %arg6[%swap3A_253] {strides = array<i32>} : memref<1024xf32, #tpu.memory_space<vmem>>, vector<16xf32>,
    %swap3A_255 = vector.shape_cast %swap3A_254 : vector<16xf32> to vector<16xf32>
    %swap3A_256 = vector.shape_cast %sub3A_252 : vector<16xf32> to vector<16xf32>
    tpu.vector_store %arg6[%swap3A_253], %swap3A_256 {strides = array<i32>} : memref<1024xf32, #tpu.memory_space<vmem>>, vector<16xf32>,
    %get3A_257 = arith.constant 432 : index
    %get3A_258 = tpu.vector_load %arg6[%get3A_257] {strides = array<i32>} : memref<1024xf32, #tpu.memory_space<vmem>>, vector<16xf32>,
    %get3A_259 = vector.shape_cast %get3A_258 : vector<16xf32> to vector<16xf32>
    %sub3A_260 = arith.subf %get3A_259, %get3A_259 : vector<16xf32>
    %swap3A_261 = arith.constant 432 : index
    %swap3A_262 = tpu.vector_load %arg6[%swap3A_261] {strides = array<i32>} : memref<1024xf32, #tpu.memory_space<vmem>>, vector<16xf32>,
    %swap3A_263 = vector.shape_cast %swap3A_262 : vector<16xf32> to vector<16xf32>
    %swap3A_264 = vector.shape_cast %sub3A_260 : vector<16xf32> to vector<16xf32>
    tpu.vector_store %arg6[%swap3A_261], %swap3A_264 {strides = array<i32>} : memref<1024xf32, #tpu.memory_space<vmem>>, vector<16xf32>,
    %get3A_265 = arith.constant 448 : index
    %get3A_266 = tpu.vector_load %arg6[%get3A_265] {strides = array<i32>} : memref<1024xf32, #tpu.memory_space<vmem>>, vector<16xf32>,
    %get3A_267 = vector.shape_cast %get3A_266 : vector<16xf32> to vector<16xf32>
    %sub3A_268 = arith.subf %get3A_267, %get3A_267 : vector<16xf32>
    %swap3A_269 = arith.constant 448 : index
    %swap3A_270 = tpu.vector_load %arg6[%swap3A_269] {strides = array<i32>} : memref<1024xf32, #tpu.memory_space<vmem>>, vector<16xf32>,
    %swap3A_271 = vector.shape_cast %swap3A_270 : vector<16xf32> to vector<16xf32>
    %swap3A_272 = vector.shape_cast %sub3A_268 : vector<16xf32> to vector<16xf32>
    tpu.vector_store %arg6[%swap3A_269], %swap3A_272 {strides = array<i32>} : memref<1024xf32, #tpu.memory_space<vmem>>, vector<16xf32>,
    %get3A_273 = arith.constant 464 : index
    %get3A_274 = tpu.vector_load %arg6[%get3A_273] {strides = array<i32>} : memref<1024xf32, #tpu.memory_space<vmem>>, vector<16xf32>,
    %get3A_275 = vector.shape_cast %get3A_274 : vector<16xf32> to vector<16xf32>
    %sub3A_276 = arith.subf %get3A_275, %get3A_275 : vector<16xf32>
    %swap3A_277 = arith.constant 464 : index
    %swap3A_278 = tpu.vector_load %arg6[%swap3A_277] {strides = array<i32>} : memref<1024xf32, #tpu.memory_space<vmem>>, vector<16xf32>,
    %swap3A_279 = vector.shape_cast %swap3A_278 : vector<16xf32> to vector<16xf32>
    %swap3A_280 = vector.shape_cast %sub3A_276 : vector<16xf32> to vector<16xf32>
    tpu.vector_store %arg6[%swap3A_277], %swap3A_280 {strides = array<i32>} : memref<1024xf32, #tpu.memory_space<vmem>>, vector<16xf32>,
    %get3A_281 = arith.constant 480 : index
    %get3A_282 = tpu.vector_load %arg6[%get3A_281] {strides = array<i32>} : memref<1024xf32, #tpu.memory_space<vmem>>, vector<16xf32>,
    %get3A_283 = vector.shape_cast %get3A_282 : vector<16xf32> to vector<16xf32>
    %sub3A_284 = arith.subf %get3A_283, %get3A_283 : vector<16xf32>
    %swap3A_285 = arith.constant 480 : index
    %swap3A_286 = tpu.vector_load %arg6[%swap3A_285] {strides = array<i32>} : memref<1024xf32, #tpu.memory_space<vmem>>, vector<16xf32>,
    %swap3A_287 = vector.shape_cast %swap3A_286 : vector<16xf32> to vector<16xf32>
    %swap3A_288 = vector.shape_cast %sub3A_284 : vector<16xf32> to vector<16xf32>
    tpu.vector_store %arg6[%swap3A_285], %swap3A_288 {strides = array<i32>} : memref<1024xf32, #tpu.memory_space<vmem>>, vector<16xf32>,
    %get3A_289 = arith.constant 496 : index
    %get3A_290 = tpu.vector_load %arg6[%get3A_289] {strides = array<i32>} : memref<1024xf32, #tpu.memory_space<vmem>>, vector<16xf32>,
    %get3A_291 = vector.shape_cast %get3A_290 : vector<16xf32> to vector<16xf32>
    %sub3A_292 = arith.subf %get3A_291, %get3A_291 : vector<16xf32>
    %swap3A_293 = arith.constant 496 : index
    %swap3A_294 = tpu.vector_load %arg6[%swap3A_293] {strides = array<i32>} : memref<1024xf32, #tpu.memory_space<vmem>>, vector<16xf32>,
    %swap3A_295 = vector.shape_cast %swap3A_294 : vector<16xf32> to vector<16xf32>
    %swap3A_296 = vector.shape_cast %sub3A_292 : vector<16xf32> to vector<16xf32>
    tpu.vector_store %arg6[%swap3A_293], %swap3A_296 {strides = array<i32>} : memref<1024xf32, #tpu.memory_space<vmem>>, vector<16xf32>,
    %add3A_297 = arith.constant 0 : i32
    %add3A_298 = arith.addi %mul3A_0, %add3A_297 : i32
    %dma_start3A_299 = arith.constant 0 : i32
    %dma_start3A_300 = tpu.memref_slice %arg6[%dma_start3A_299] : memref<1024xf32, #tpu.memory_space<vmem>> -> memref<512xf32, #tpu.memory_space<vmem>>
    %dma_start3A_301 = tpu.memref_slice %arg4[%add3A_298] : memref<16384xf32, #tpu.memory_space<hbm>> -> memref<512xf32, #tpu.memory_space<hbm>>
    %dma_start3A_302 = tpu.memref_slice %arg4[%add3A_298] : memref<16384xf32, #tpu.memory_space<hbm>> -> memref<512xf32, #tpu.memory_space<hbm>>
    %dma_start3A_303 = arith.constant 0 : i32
    %dma_start3A_304 = tpu.memref_slice %arg6[%dma_start3A_303] : memref<1024xf32, #tpu.memory_space<vmem>> -> memref<512xf32, #tpu.memory_space<vmem>>
    tpu.enqueue_dma source(%dma_start3A_304 : memref<512xf32, #tpu.memory_space<vmem>>) target(%dma_start3A_302 : memref<512xf32, #tpu.memory_space<hbm>>) target_semaphore(%arg11 : memref<!tpu.dma_semaphore, #tpu.memory_space<semaphore_mem>>)
    %dma_wait3A_305 = arith.constant 512 : i32
    %dma_wait3A_306 = tpu.memref_slice %arg6[%dma_wait3A_305] : memref<1024xf32, #tpu.memory_space<vmem>> -> memref<512xf32, #tpu.memory_space<vmem>>
    %dma_wait3A_307 = arith.constant 512 : i32
    %dma_wait3A_308 = tpu.memref_slice %arg5[%dma_wait3A_307] : memref<1024xi32, #tpu.memory_space<vmem>> -> memref<512xi32, #tpu.memory_space<vmem>>
    %dma_wait3A_309 = arith.constant 0 : i32
    %dma_wait3A_310 = tpu.memref_slice %arg3[%dma_wait3A_309] : memref<1000000xf32, #tpu.memory_space<hbm>> -> memref<1000000xf32, #tpu.memory_space<hbm>>
    tpu.wait_indirect_dma semaphore(%arg10 : memref<!tpu.dma_semaphore, #tpu.memory_space<semaphore_mem>>) src(%dma_wait3A_310 : memref<1000000xf32, #tpu.memory_space<hbm>>) dst(%dma_wait3A_306 : memref<512xf32, #tpu.memory_space<vmem>>)
    %get3A_311 = arith.constant 512 : index
    %get3A_312 = tpu.vector_load %arg6[%get3A_311] {strides = array<i32>} : memref<1024xf32, #tpu.memory_space<vmem>>, vector<16xf32>,
    %get3A_313 = vector.shape_cast %get3A_312 : vector<16xf32> to vector<16xf32>
    %sub3A_314 = arith.subf %get3A_313, %get3A_313 : vector<16xf32>
    %swap3A_315 = arith.constant 512 : index
    %swap3A_316 = tpu.vector_load %arg6[%swap3A_315] {strides = array<i32>} : memref<1024xf32, #tpu.memory_space<vmem>>, vector<16xf32>,
    %swap3A_317 = vector.shape_cast %swap3A_316 : vector<16xf32> to vector<16xf32>
    %swap3A_318 = vector.shape_cast %sub3A_314 : vector<16xf32> to vector<16xf32>
    tpu.vector_store %arg6[%swap3A_315], %swap3A_318 {strides = array<i32>} : memref<1024xf32, #tpu.memory_space<vmem>>, vector<16xf32>,
    %get3A_319 = arith.constant 528 : index
    %get3A_320 = tpu.vector_load %arg6[%get3A_319] {strides = array<i32>} : memref<1024xf32, #tpu.memory_space<vmem>>, vector<16xf32>,
    %get3A_321 = vector.shape_cast %get3A_320 : vector<16xf32> to vector<16xf32>
    %sub3A_322 = arith.subf %get3A_321, %get3A_321 : vector<16xf32>
    %swap3A_323 = arith.constant 528 : index
    %swap3A_324 = tpu.vector_load %arg6[%swap3A_323] {strides = array<i32>} : memref<1024xf32, #tpu.memory_space<vmem>>, vector<16xf32>,
    %swap3A_325 = vector.shape_cast %swap3A_324 : vector<16xf32> to vector<16xf32>
    %swap3A_326 = vector.shape_cast %sub3A_322 : vector<16xf32> to vector<16xf32>
    tpu.vector_store %arg6[%swap3A_323], %swap3A_326 {strides = array<i32>} : memref<1024xf32, #tpu.memory_space<vmem>>, vector<16xf32>,
    %get3A_327 = arith.constant 544 : index
    %get3A_328 = tpu.vector_load %arg6[%get3A_327] {strides = array<i32>} : memref<1024xf32, #tpu.memory_space<vmem>>, vector<16xf32>,
    %get3A_329 = vector.shape_cast %get3A_328 : vector<16xf32> to vector<16xf32>
    %sub3A_330 = arith.subf %get3A_329, %get3A_329 : vector<16xf32>
    %swap3A_331 = arith.constant 544 : index
    %swap3A_332 = tpu.vector_load %arg6[%swap3A_331] {strides = array<i32>} : memref<1024xf32, #tpu.memory_space<vmem>>, vector<16xf32>,
    %swap3A_333 = vector.shape_cast %swap3A_332 : vector<16xf32> to vector<16xf32>
    %swap3A_334 = vector.shape_cast %sub3A_330 : vector<16xf32> to vector<16xf32>
    tpu.vector_store %arg6[%swap3A_331], %swap3A_334 {strides = array<i32>} : memref<1024xf32, #tpu.memory_space<vmem>>, vector<16xf32>,
    %get3A_335 = arith.constant 560 : index
    %get3A_336 = tpu.vector_load %arg6[%get3A_335] {strides = array<i32>} : memref<1024xf32, #tpu.memory_space<vmem>>, vector<16xf32>,
    %get3A_337 = vector.shape_cast %get3A_336 : vector<16xf32> to vector<16xf32>
    %sub3A_338 = arith.subf %get3A_337, %get3A_337 : vector<16xf32>
    %swap3A_339 = arith.constant 560 : index
    %swap3A_340 = tpu.vector_load %arg6[%swap3A_339] {strides = array<i32>} : memref<1024xf32, #tpu.memory_space<vmem>>, vector<16xf32>,
    %swap3A_341 = vector.shape_cast %swap3A_340 : vector<16xf32> to vector<16xf32>
    %swap3A_342 = vector.shape_cast %sub3A_338 : vector<16xf32> to vector<16xf32>
    tpu.vector_store %arg6[%swap3A_339], %swap3A_342 {strides = array<i32>} : memref<1024xf32, #tpu.memory_space<vmem>>, vector<16xf32>,
    %get3A_343 = arith.constant 576 : index
    %get3A_344 = tpu.vector_load %arg6[%get3A_343] {strides = array<i32>} : memref<1024xf32, #tpu.memory_space<vmem>>, vector<16xf32>,
    %get3A_345 = vector.shape_cast %get3A_344 : vector<16xf32> to vector<16xf32>
    %sub3A_346 = arith.subf %get3A_345, %get3A_345 : vector<16xf32>
    %swap3A_347 = arith.constant 576 : index
    %swap3A_348 = tpu.vector_load %arg6[%swap3A_347] {strides = array<i32>} : memref<1024xf32, #tpu.memory_space<vmem>>, vector<16xf32>,
    %swap3A_349 = vector.shape_cast %swap3A_348 : vector<16xf32> to vector<16xf32>
    %swap3A_350 = vector.shape_cast %sub3A_346 : vector<16xf32> to vector<16xf32>
    tpu.vector_store %arg6[%swap3A_347], %swap3A_350 {strides = array<i32>} : memref<1024xf32, #tpu.memory_space<vmem>>, vector<16xf32>,
    %get3A_351 = arith.constant 592 : index
    %get3A_352 = tpu.vector_load %arg6[%get3A_351] {strides = array<i32>} : memref<1024xf32, #tpu.memory_space<vmem>>, vector<16xf32>,
    %get3A_353 = vector.shape_cast %get3A_352 : vector<16xf32> to vector<16xf32>
    %sub3A_354 = arith.subf %get3A_353, %get3A_353 : vector<16xf32>
    %swap3A_355 = arith.constant 592 : index
    %swap3A_356 = tpu.vector_load %arg6[%swap3A_355] {strides = array<i32>} : memref<1024xf32, #tpu.memory_space<vmem>>, vector<16xf32>,
    %swap3A_357 = vector.shape_cast %swap3A_356 : vector<16xf32> to vector<16xf32>
    %swap3A_358 = vector.shape_cast %sub3A_354 : vector<16xf32> to vector<16xf32>
    tpu.vector_store %arg6[%swap3A_355], %swap3A_358 {strides = array<i32>} : memref<1024xf32, #tpu.memory_space<vmem>>, vector<16xf32>,
    %get3A_359 = arith.constant 608 : index
    %get3A_360 = tpu.vector_load %arg6[%get3A_359] {strides = array<i32>} : memref<1024xf32, #tpu.memory_space<vmem>>, vector<16xf32>,
    %get3A_361 = vector.shape_cast %get3A_360 : vector<16xf32> to vector<16xf32>
    %sub3A_362 = arith.subf %get3A_361, %get3A_361 : vector<16xf32>
    %swap3A_363 = arith.constant 608 : index
    %swap3A_364 = tpu.vector_load %arg6[%swap3A_363] {strides = array<i32>} : memref<1024xf32, #tpu.memory_space<vmem>>, vector<16xf32>,
    %swap3A_365 = vector.shape_cast %swap3A_364 : vector<16xf32> to vector<16xf32>
    %swap3A_366 = vector.shape_cast %sub3A_362 : vector<16xf32> to vector<16xf32>
    tpu.vector_store %arg6[%swap3A_363], %swap3A_366 {strides = array<i32>} : memref<1024xf32, #tpu.memory_space<vmem>>, vector<16xf32>,
    %get3A_367 = arith.constant 624 : index
    %get3A_368 = tpu.vector_load %arg6[%get3A_367] {strides = array<i32>} : memref<1024xf32, #tpu.memory_space<vmem>>, vector<16xf32>,
    %get3A_369 = vector.shape_cast %get3A_368 : vector<16xf32> to vector<16xf32>
    %sub3A_370 = arith.subf %get3A_369, %get3A_369 : vector<16xf32>
    %swap3A_371 = arith.constant 624 : index
    %swap3A_372 = tpu.vector_load %arg6[%swap3A_371] {strides = array<i32>} : memref<1024xf32, #tpu.memory_space<vmem>>, vector<16xf32>,
    %swap3A_373 = vector.shape_cast %swap3A_372 : vector<16xf32> to vector<16xf32>
    %swap3A_374 = vector.shape_cast %sub3A_370 : vector<16xf32> to vector<16xf32>
    tpu.vector_store %arg6[%swap3A_371], %swap3A_374 {strides = array<i32>} : memref<1024xf32, #tpu.memory_space<vmem>>, vector<16xf32>,
    %get3A_375 = arith.constant 640 : index
    %get3A_376 = tpu.vector_load %arg6[%get3A_375] {strides = array<i32>} : memref<1024xf32, #tpu.memory_space<vmem>>, vector<16xf32>,
    %get3A_377 = vector.shape_cast %get3A_376 : vector<16xf32> to vector<16xf32>
    %sub3A_378 = arith.subf %get3A_377, %get3A_377 : vector<16xf32>
    %swap3A_379 = arith.constant 640 : index
    %swap3A_380 = tpu.vector_load %arg6[%swap3A_379] {strides = array<i32>} : memref<1024xf32, #tpu.memory_space<vmem>>, vector<16xf32>,
    %swap3A_381 = vector.shape_cast %swap3A_380 : vector<16xf32> to vector<16xf32>
    %swap3A_382 = vector.shape_cast %sub3A_378 : vector<16xf32> to vector<16xf32>
    tpu.vector_store %arg6[%swap3A_379], %swap3A_382 {strides = array<i32>} : memref<1024xf32, #tpu.memory_space<vmem>>, vector<16xf32>,
    %get3A_383 = arith.constant 656 : index
    %get3A_384 = tpu.vector_load %arg6[%get3A_383] {strides = array<i32>} : memref<1024xf32, #tpu.memory_space<vmem>>, vector<16xf32>,
    %get3A_385 = vector.shape_cast %get3A_384 : vector<16xf32> to vector<16xf32>
    %sub3A_386 = arith.subf %get3A_385, %get3A_385 : vector<16xf32>
    %swap3A_387 = arith.constant 656 : index
    %swap3A_388 = tpu.vector_load %arg6[%swap3A_387] {strides = array<i32>} : memref<1024xf32, #tpu.memory_space<vmem>>, vector<16xf32>,
    %swap3A_389 = vector.shape_cast %swap3A_388 : vector<16xf32> to vector<16xf32>
    %swap3A_390 = vector.shape_cast %sub3A_386 : vector<16xf32> to vector<16xf32>
    tpu.vector_store %arg6[%swap3A_387], %swap3A_390 {strides = array<i32>} : memref<1024xf32, #tpu.memory_space<vmem>>, vector<16xf32>,
    %get3A_391 = arith.constant 672 : index
    %get3A_392 = tpu.vector_load %arg6[%get3A_391] {strides = array<i32>} : memref<1024xf32, #tpu.memory_space<vmem>>, vector<16xf32>,
    %get3A_393 = vector.shape_cast %get3A_392 : vector<16xf32> to vector<16xf32>
    %sub3A_394 = arith.subf %get3A_393, %get3A_393 : vector<16xf32>
    %swap3A_395 = arith.constant 672 : index
    %swap3A_396 = tpu.vector_load %arg6[%swap3A_395] {strides = array<i32>} : memref<1024xf32, #tpu.memory_space<vmem>>, vector<16xf32>,
    %swap3A_397 = vector.shape_cast %swap3A_396 : vector<16xf32> to vector<16xf32>
    %swap3A_398 = vector.shape_cast %sub3A_394 : vector<16xf32> to vector<16xf32>
    tpu.vector_store %arg6[%swap3A_395], %swap3A_398 {strides = array<i32>} : memref<1024xf32, #tpu.memory_space<vmem>>, vector<16xf32>,
    %get3A_399 = arith.constant 688 : index
    %get3A_400 = tpu.vector_load %arg6[%get3A_399] {strides = array<i32>} : memref<1024xf32, #tpu.memory_space<vmem>>, vector<16xf32>,
    %get3A_401 = vector.shape_cast %get3A_400 : vector<16xf32> to vector<16xf32>
    %sub3A_402 = arith.subf %get3A_401, %get3A_401 : vector<16xf32>
    %swap3A_403 = arith.constant 688 : index
    %swap3A_404 = tpu.vector_load %arg6[%swap3A_403] {strides = array<i32>} : memref<1024xf32, #tpu.memory_space<vmem>>, vector<16xf32>,
    %swap3A_405 = vector.shape_cast %swap3A_404 : vector<16xf32> to vector<16xf32>
    %swap3A_406 = vector.shape_cast %sub3A_402 : vector<16xf32> to vector<16xf32>
    tpu.vector_store %arg6[%swap3A_403], %swap3A_406 {strides = array<i32>} : memref<1024xf32, #tpu.memory_space<vmem>>, vector<16xf32>,
    %get3A_407 = arith.constant 704 : index
    %get3A_408 = tpu.vector_load %arg6[%get3A_407] {strides = array<i32>} : memref<1024xf32, #tpu.memory_space<vmem>>, vector<16xf32>,
    %get3A_409 = vector.shape_cast %get3A_408 : vector<16xf32> to vector<16xf32>
    %sub3A_410 = arith.subf %get3A_409, %get3A_409 : vector<16xf32>
    %swap3A_411 = arith.constant 704 : index
    %swap3A_412 = tpu.vector_load %arg6[%swap3A_411] {strides = array<i32>} : memref<1024xf32, #tpu.memory_space<vmem>>, vector<16xf32>,
    %swap3A_413 = vector.shape_cast %swap3A_412 : vector<16xf32> to vector<16xf32>
    %swap3A_414 = vector.shape_cast %sub3A_410 : vector<16xf32> to vector<16xf32>
    tpu.vector_store %arg6[%swap3A_411], %swap3A_414 {strides = array<i32>} : memref<1024xf32, #tpu.memory_space<vmem>>, vector<16xf32>,
    %get3A_415 = arith.constant 720 : index
    %get3A_416 = tpu.vector_load %arg6[%get3A_415] {strides = array<i32>} : memref<1024xf32, #tpu.memory_space<vmem>>, vector<16xf32>,
    %get3A_417 = vector.shape_cast %get3A_416 : vector<16xf32> to vector<16xf32>
    %sub3A_418 = arith.subf %get3A_417, %get3A_417 : vector<16xf32>
    %swap3A_419 = arith.constant 720 : index
    %swap3A_420 = tpu.vector_load %arg6[%swap3A_419] {strides = array<i32>} : memref<1024xf32, #tpu.memory_space<vmem>>, vector<16xf32>,
    %swap3A_421 = vector.shape_cast %swap3A_420 : vector<16xf32> to vector<16xf32>
    %swap3A_422 = vector.shape_cast %sub3A_418 : vector<16xf32> to vector<16xf32>
    tpu.vector_store %arg6[%swap3A_419], %swap3A_422 {strides = array<i32>} : memref<1024xf32, #tpu.memory_space<vmem>>, vector<16xf32>,
    %get3A_423 = arith.constant 736 : index
    %get3A_424 = tpu.vector_load %arg6[%get3A_423] {strides = array<i32>} : memref<1024xf32, #tpu.memory_space<vmem>>, vector<16xf32>,
    %get3A_425 = vector.shape_cast %get3A_424 : vector<16xf32> to vector<16xf32>
    %sub3A_426 = arith.subf %get3A_425, %get3A_425 : vector<16xf32>
    %swap3A_427 = arith.constant 736 : index
    %swap3A_428 = tpu.vector_load %arg6[%swap3A_427] {strides = array<i32>} : memref<1024xf32, #tpu.memory_space<vmem>>, vector<16xf32>,
    %swap3A_429 = vector.shape_cast %swap3A_428 : vector<16xf32> to vector<16xf32>
    %swap3A_430 = vector.shape_cast %sub3A_426 : vector<16xf32> to vector<16xf32>
    tpu.vector_store %arg6[%swap3A_427], %swap3A_430 {strides = array<i32>} : memref<1024xf32, #tpu.memory_space<vmem>>, vector<16xf32>,
    %get3A_431 = arith.constant 752 : index
    %get3A_432 = tpu.vector_load %arg6[%get3A_431] {strides = array<i32>} : memref<1024xf32, #tpu.memory_space<vmem>>, vector<16xf32>,
    %get3A_433 = vector.shape_cast %get3A_432 : vector<16xf32> to vector<16xf32>
    %sub3A_434 = arith.subf %get3A_433, %get3A_433 : vector<16xf32>
    %swap3A_435 = arith.constant 752 : index
    %swap3A_436 = tpu.vector_load %arg6[%swap3A_435] {strides = array<i32>} : memref<1024xf32, #tpu.memory_space<vmem>>, vector<16xf32>,
    %swap3A_437 = vector.shape_cast %swap3A_436 : vector<16xf32> to vector<16xf32>
    %swap3A_438 = vector.shape_cast %sub3A_434 : vector<16xf32> to vector<16xf32>
    tpu.vector_store %arg6[%swap3A_435], %swap3A_438 {strides = array<i32>} : memref<1024xf32, #tpu.memory_space<vmem>>, vector<16xf32>,
    %get3A_439 = arith.constant 768 : index
    %get3A_440 = tpu.vector_load %arg6[%get3A_439] {strides = array<i32>} : memref<1024xf32, #tpu.memory_space<vmem>>, vector<16xf32>,
    %get3A_441 = vector.shape_cast %get3A_440 : vector<16xf32> to vector<16xf32>
    %sub3A_442 = arith.subf %get3A_441, %get3A_441 : vector<16xf32>
    %swap3A_443 = arith.constant 768 : index
    %swap3A_444 = tpu.vector_load %arg6[%swap3A_443] {strides = array<i32>} : memref<1024xf32, #tpu.memory_space<vmem>>, vector<16xf32>,
    %swap3A_445 = vector.shape_cast %swap3A_444 : vector<16xf32> to vector<16xf32>
    %swap3A_446 = vector.shape_cast %sub3A_442 : vector<16xf32> to vector<16xf32>
    tpu.vector_store %arg6[%swap3A_443], %swap3A_446 {strides = array<i32>} : memref<1024xf32, #tpu.memory_space<vmem>>, vector<16xf32>,
    %get3A_447 = arith.constant 784 : index
    %get3A_448 = tpu.vector_load %arg6[%get3A_447] {strides = array<i32>} : memref<1024xf32, #tpu.memory_space<vmem>>, vector<16xf32>,
    %get3A_449 = vector.shape_cast %get3A_448 : vector<16xf32> to vector<16xf32>
    %sub3A_450 = arith.subf %get3A_449, %get3A_449 : vector<16xf32>
    %swap3A_451 = arith.constant 784 : index
    %swap3A_452 = tpu.vector_load %arg6[%swap3A_451] {strides = array<i32>} : memref<1024xf32, #tpu.memory_space<vmem>>, vector<16xf32>,
    %swap3A_453 = vector.shape_cast %swap3A_452 : vector<16xf32> to vector<16xf32>
    %swap3A_454 = vector.shape_cast %sub3A_450 : vector<16xf32> to vector<16xf32>
    tpu.vector_store %arg6[%swap3A_451], %swap3A_454 {strides = array<i32>} : memref<1024xf32, #tpu.memory_space<vmem>>, vector<16xf32>,
    %get3A_455 = arith.constant 800 : index
    %get3A_456 = tpu.vector_load %arg6[%get3A_455] {strides = array<i32>} : memref<1024xf32, #tpu.memory_space<vmem>>, vector<16xf32>,
    %get3A_457 = vector.shape_cast %get3A_456 : vector<16xf32> to vector<16xf32>
    %sub3A_458 = arith.subf %get3A_457, %get3A_457 : vector<16xf32>
    %swap3A_459 = arith.constant 800 : index
    %swap3A_460 = tpu.vector_load %arg6[%swap3A_459] {strides = array<i32>} : memref<1024xf32, #tpu.memory_space<vmem>>, vector<16xf32>,
    %swap3A_461 = vector.shape_cast %swap3A_460 : vector<16xf32> to vector<16xf32>
    %swap3A_462 = vector.shape_cast %sub3A_458 : vector<16xf32> to vector<16xf32>
    tpu.vector_store %arg6[%swap3A_459], %swap3A_462 {strides = array<i32>} : memref<1024xf32, #tpu.memory_space<vmem>>, vector<16xf32>,
    %get3A_463 = arith.constant 816 : index
    %get3A_464 = tpu.vector_load %arg6[%get3A_463] {strides = array<i32>} : memref<1024xf32, #tpu.memory_space<vmem>>, vector<16xf32>,
    %get3A_465 = vector.shape_cast %get3A_464 : vector<16xf32> to vector<16xf32>
    %sub3A_466 = arith.subf %get3A_465, %get3A_465 : vector<16xf32>
    %swap3A_467 = arith.constant 816 : index
    %swap3A_468 = tpu.vector_load %arg6[%swap3A_467] {strides = array<i32>} : memref<1024xf32, #tpu.memory_space<vmem>>, vector<16xf32>,
    %swap3A_469 = vector.shape_cast %swap3A_468 : vector<16xf32> to vector<16xf32>
    %swap3A_470 = vector.shape_cast %sub3A_466 : vector<16xf32> to vector<16xf32>
    tpu.vector_store %arg6[%swap3A_467], %swap3A_470 {strides = array<i32>} : memref<1024xf32, #tpu.memory_space<vmem>>, vector<16xf32>,
    %get3A_471 = arith.constant 832 : index
    %get3A_472 = tpu.vector_load %arg6[%get3A_471] {strides = array<i32>} : memref<1024xf32, #tpu.memory_space<vmem>>, vector<16xf32>,
    %get3A_473 = vector.shape_cast %get3A_472 : vector<16xf32> to vector<16xf32>
    %sub3A_474 = arith.subf %get3A_473, %get3A_473 : vector<16xf32>
    %swap3A_475 = arith.constant 832 : index
    %swap3A_476 = tpu.vector_load %arg6[%swap3A_475] {strides = array<i32>} : memref<1024xf32, #tpu.memory_space<vmem>>, vector<16xf32>,
    %swap3A_477 = vector.shape_cast %swap3A_476 : vector<16xf32> to vector<16xf32>
    %swap3A_478 = vector.shape_cast %sub3A_474 : vector<16xf32> to vector<16xf32>
    tpu.vector_store %arg6[%swap3A_475], %swap3A_478 {strides = array<i32>} : memref<1024xf32, #tpu.memory_space<vmem>>, vector<16xf32>,
    %get3A_479 = arith.constant 848 : index
    %get3A_480 = tpu.vector_load %arg6[%get3A_479] {strides = array<i32>} : memref<1024xf32, #tpu.memory_space<vmem>>, vector<16xf32>,
    %get3A_481 = vector.shape_cast %get3A_480 : vector<16xf32> to vector<16xf32>
    %sub3A_482 = arith.subf %get3A_481, %get3A_481 : vector<16xf32>
    %swap3A_483 = arith.constant 848 : index
    %swap3A_484 = tpu.vector_load %arg6[%swap3A_483] {strides = array<i32>} : memref<1024xf32, #tpu.memory_space<vmem>>, vector<16xf32>,
    %swap3A_485 = vector.shape_cast %swap3A_484 : vector<16xf32> to vector<16xf32>
    %swap3A_486 = vector.shape_cast %sub3A_482 : vector<16xf32> to vector<16xf32>
    tpu.vector_store %arg6[%swap3A_483], %swap3A_486 {strides = array<i32>} : memref<1024xf32, #tpu.memory_space<vmem>>, vector<16xf32>,
    %get3A_487 = arith.constant 864 : index
    %get3A_488 = tpu.vector_load %arg6[%get3A_487] {strides = array<i32>} : memref<1024xf32, #tpu.memory_space<vmem>>, vector<16xf32>,
    %get3A_489 = vector.shape_cast %get3A_488 : vector<16xf32> to vector<16xf32>
    %sub3A_490 = arith.subf %get3A_489, %get3A_489 : vector<16xf32>
    %swap3A_491 = arith.constant 864 : index
    %swap3A_492 = tpu.vector_load %arg6[%swap3A_491] {strides = array<i32>} : memref<1024xf32, #tpu.memory_space<vmem>>, vector<16xf32>,
    %swap3A_493 = vector.shape_cast %swap3A_492 : vector<16xf32> to vector<16xf32>
    %swap3A_494 = vector.shape_cast %sub3A_490 : vector<16xf32> to vector<16xf32>
    tpu.vector_store %arg6[%swap3A_491], %swap3A_494 {strides = array<i32>} : memref<1024xf32, #tpu.memory_space<vmem>>, vector<16xf32>,
    %get3A_495 = arith.constant 880 : index
    %get3A_496 = tpu.vector_load %arg6[%get3A_495] {strides = array<i32>} : memref<1024xf32, #tpu.memory_space<vmem>>, vector<16xf32>,
    %get3A_497 = vector.shape_cast %get3A_496 : vector<16xf32> to vector<16xf32>
    %sub3A_498 = arith.subf %get3A_497, %get3A_497 : vector<16xf32>
    %swap3A_499 = arith.constant 880 : index
    %swap3A_500 = tpu.vector_load %arg6[%swap3A_499] {strides = array<i32>} : memref<1024xf32, #tpu.memory_space<vmem>>, vector<16xf32>,
    %swap3A_501 = vector.shape_cast %swap3A_500 : vector<16xf32> to vector<16xf32>
    %swap3A_502 = vector.shape_cast %sub3A_498 : vector<16xf32> to vector<16xf32>
    tpu.vector_store %arg6[%swap3A_499], %swap3A_502 {strides = array<i32>} : memref<1024xf32, #tpu.memory_space<vmem>>, vector<16xf32>,
    %get3A_503 = arith.constant 896 : index
    %get3A_504 = tpu.vector_load %arg6[%get3A_503] {strides = array<i32>} : memref<1024xf32, #tpu.memory_space<vmem>>, vector<16xf32>,
    %get3A_505 = vector.shape_cast %get3A_504 : vector<16xf32> to vector<16xf32>
    %sub3A_506 = arith.subf %get3A_505, %get3A_505 : vector<16xf32>
    %swap3A_507 = arith.constant 896 : index
    %swap3A_508 = tpu.vector_load %arg6[%swap3A_507] {strides = array<i32>} : memref<1024xf32, #tpu.memory_space<vmem>>, vector<16xf32>,
    %swap3A_509 = vector.shape_cast %swap3A_508 : vector<16xf32> to vector<16xf32>
    %swap3A_510 = vector.shape_cast %sub3A_506 : vector<16xf32> to vector<16xf32>
    tpu.vector_store %arg6[%swap3A_507], %swap3A_510 {strides = array<i32>} : memref<1024xf32, #tpu.memory_space<vmem>>, vector<16xf32>,
    %get3A_511 = arith.constant 912 : index
    %get3A_512 = tpu.vector_load %arg6[%get3A_511] {strides = array<i32>} : memref<1024xf32, #tpu.memory_space<vmem>>, vector<16xf32>,
    %get3A_513 = vector.shape_cast %get3A_512 : vector<16xf32> to vector<16xf32>
    %sub3A_514 = arith.subf %get3A_513, %get3A_513 : vector<16xf32>
    %swap3A_515 = arith.constant 912 : index
    %swap3A_516 = tpu.vector_load %arg6[%swap3A_515] {strides = array<i32>} : memref<1024xf32, #tpu.memory_space<vmem>>, vector<16xf32>,
    %swap3A_517 = vector.shape_cast %swap3A_516 : vector<16xf32> to vector<16xf32>
    %swap3A_518 = vector.shape_cast %sub3A_514 : vector<16xf32> to vector<16xf32>
    tpu.vector_store %arg6[%swap3A_515], %swap3A_518 {strides = array<i32>} : memref<1024xf32, #tpu.memory_space<vmem>>, vector<16xf32>,
    %get3A_519 = arith.constant 928 : index
    %get3A_520 = tpu.vector_load %arg6[%get3A_519] {strides = array<i32>} : memref<1024xf32, #tpu.memory_space<vmem>>, vector<16xf32>,
    %get3A_521 = vector.shape_cast %get3A_520 : vector<16xf32> to vector<16xf32>
    %sub3A_522 = arith.subf %get3A_521, %get3A_521 : vector<16xf32>
    %swap3A_523 = arith.constant 928 : index
    %swap3A_524 = tpu.vector_load %arg6[%swap3A_523] {strides = array<i32>} : memref<1024xf32, #tpu.memory_space<vmem>>, vector<16xf32>,
    %swap3A_525 = vector.shape_cast %swap3A_524 : vector<16xf32> to vector<16xf32>
    %swap3A_526 = vector.shape_cast %sub3A_522 : vector<16xf32> to vector<16xf32>
    tpu.vector_store %arg6[%swap3A_523], %swap3A_526 {strides = array<i32>} : memref<1024xf32, #tpu.memory_space<vmem>>, vector<16xf32>,
    %get3A_527 = arith.constant 944 : index
    %get3A_528 = tpu.vector_load %arg6[%get3A_527] {strides = array<i32>} : memref<1024xf32, #tpu.memory_space<vmem>>, vector<16xf32>,
    %get3A_529 = vector.shape_cast %get3A_528 : vector<16xf32> to vector<16xf32>
    %sub3A_530 = arith.subf %get3A_529, %get3A_529 : vector<16xf32>
    %swap3A_531 = arith.constant 944 : index
    %swap3A_532 = tpu.vector_load %arg6[%swap3A_531] {strides = array<i32>} : memref<1024xf32, #tpu.memory_space<vmem>>, vector<16xf32>,
    %swap3A_533 = vector.shape_cast %swap3A_532 : vector<16xf32> to vector<16xf32>
    %swap3A_534 = vector.shape_cast %sub3A_530 : vector<16xf32> to vector<16xf32>
    tpu.vector_store %arg6[%swap3A_531], %swap3A_534 {strides = array<i32>} : memref<1024xf32, #tpu.memory_space<vmem>>, vector<16xf32>,
    %get3A_535 = arith.constant 960 : index
    %get3A_536 = tpu.vector_load %arg6[%get3A_535] {strides = array<i32>} : memref<1024xf32, #tpu.memory_space<vmem>>, vector<16xf32>,
    %get3A_537 = vector.shape_cast %get3A_536 : vector<16xf32> to vector<16xf32>
    %sub3A_538 = arith.subf %get3A_537, %get3A_537 : vector<16xf32>
    %swap3A_539 = arith.constant 960 : index
    %swap3A_540 = tpu.vector_load %arg6[%swap3A_539] {strides = array<i32>} : memref<1024xf32, #tpu.memory_space<vmem>>, vector<16xf32>,
    %swap3A_541 = vector.shape_cast %swap3A_540 : vector<16xf32> to vector<16xf32>
    %swap3A_542 = vector.shape_cast %sub3A_538 : vector<16xf32> to vector<16xf32>
    tpu.vector_store %arg6[%swap3A_539], %swap3A_542 {strides = array<i32>} : memref<1024xf32, #tpu.memory_space<vmem>>, vector<16xf32>,
    %get3A_543 = arith.constant 976 : index
    %get3A_544 = tpu.vector_load %arg6[%get3A_543] {strides = array<i32>} : memref<1024xf32, #tpu.memory_space<vmem>>, vector<16xf32>,
    %get3A_545 = vector.shape_cast %get3A_544 : vector<16xf32> to vector<16xf32>
    %sub3A_546 = arith.subf %get3A_545, %get3A_545 : vector<16xf32>
    %swap3A_547 = arith.constant 976 : index
    %swap3A_548 = tpu.vector_load %arg6[%swap3A_547] {strides = array<i32>} : memref<1024xf32, #tpu.memory_space<vmem>>, vector<16xf32>,
    %swap3A_549 = vector.shape_cast %swap3A_548 : vector<16xf32> to vector<16xf32>
    %swap3A_550 = vector.shape_cast %sub3A_546 : vector<16xf32> to vector<16xf32>
    tpu.vector_store %arg6[%swap3A_547], %swap3A_550 {strides = array<i32>} : memref<1024xf32, #tpu.memory_space<vmem>>, vector<16xf32>,
    %get3A_551 = arith.constant 992 : index
    %get3A_552 = tpu.vector_load %arg6[%get3A_551] {strides = array<i32>} : memref<1024xf32, #tpu.memory_space<vmem>>, vector<16xf32>,
    %get3A_553 = vector.shape_cast %get3A_552 : vector<16xf32> to vector<16xf32>
    %sub3A_554 = arith.subf %get3A_553, %get3A_553 : vector<16xf32>
    %swap3A_555 = arith.constant 992 : index
    %swap3A_556 = tpu.vector_load %arg6[%swap3A_555] {strides = array<i32>} : memref<1024xf32, #tpu.memory_space<vmem>>, vector<16xf32>,
    %swap3A_557 = vector.shape_cast %swap3A_556 : vector<16xf32> to vector<16xf32>
    %swap3A_558 = vector.shape_cast %sub3A_554 : vector<16xf32> to vector<16xf32>
    tpu.vector_store %arg6[%swap3A_555], %swap3A_558 {strides = array<i32>} : memref<1024xf32, #tpu.memory_space<vmem>>, vector<16xf32>,
    %get3A_559 = arith.constant 1008 : index
    %get3A_560 = tpu.vector_load %arg6[%get3A_559] {strides = array<i32>} : memref<1024xf32, #tpu.memory_space<vmem>>, vector<16xf32>,
    %get3A_561 = vector.shape_cast %get3A_560 : vector<16xf32> to vector<16xf32>
    %sub3A_562 = arith.subf %get3A_561, %get3A_561 : vector<16xf32>
    %swap3A_563 = arith.constant 1008 : index
    %swap3A_564 = tpu.vector_load %arg6[%swap3A_563] {strides = array<i32>} : memref<1024xf32, #tpu.memory_space<vmem>>, vector<16xf32>,
    %swap3A_565 = vector.shape_cast %swap3A_564 : vector<16xf32> to vector<16xf32>
    %swap3A_566 = vector.shape_cast %sub3A_562 : vector<16xf32> to vector<16xf32>
    tpu.vector_store %arg6[%swap3A_563], %swap3A_566 {strides = array<i32>} : memref<1024xf32, #tpu.memory_space<vmem>>, vector<16xf32>,
    %add3A_567 = arith.constant 512 : i32
    %add3A_568 = arith.addi %mul3A_0, %add3A_567 : i32
    %dma_start3A_569 = arith.constant 512 : i32
    %dma_start3A_570 = tpu.memref_slice %arg6[%dma_start3A_569] : memref<1024xf32, #tpu.memory_space<vmem>> -> memref<512xf32, #tpu.memory_space<vmem>>
    %dma_start3A_571 = tpu.memref_slice %arg4[%add3A_568] : memref<16384xf32, #tpu.memory_space<hbm>> -> memref<512xf32, #tpu.memory_space<hbm>>
    %dma_start3A_572 = tpu.memref_slice %arg4[%add3A_568] : memref<16384xf32, #tpu.memory_space<hbm>> -> memref<512xf32, #tpu.memory_space<hbm>>
    %dma_start3A_573 = arith.constant 512 : i32
    %dma_start3A_574 = tpu.memref_slice %arg6[%dma_start3A_573] : memref<1024xf32, #tpu.memory_space<vmem>> -> memref<512xf32, #tpu.memory_space<vmem>>
    tpu.enqueue_dma source(%dma_start3A_574 : memref<512xf32, #tpu.memory_space<vmem>>) target(%dma_start3A_572 : memref<512xf32, #tpu.memory_space<hbm>>) target_semaphore(%arg12 : memref<!tpu.dma_semaphore, #tpu.memory_space<semaphore_mem>>)
    %dma_wait3A_575 = arith.constant 0 : i32
    %dma_wait3A_576 = tpu.memref_slice %arg6[%dma_wait3A_575] : memref<1024xf32, #tpu.memory_space<vmem>> -> memref<512xf32, #tpu.memory_space<vmem>>
    %dma_wait3A_577 = tpu.memref_slice %arg4[%add3A_298] : memref<16384xf32, #tpu.memory_space<hbm>> -> memref<512xf32, #tpu.memory_space<hbm>>
    %dma_wait3A_578 = tpu.memref_slice %arg4[%add3A_298] : memref<16384xf32, #tpu.memory_space<hbm>> -> memref<512xf32, #tpu.memory_space<hbm>>
    %dma_wait3A_579 = arith.constant 0 : i32
    %dma_wait3A_580 = tpu.memref_slice %arg6[%dma_wait3A_579] : memref<1024xf32, #tpu.memory_space<vmem>> -> memref<512xf32, #tpu.memory_space<vmem>>
    tpu.wait_dma2 semaphore(%arg11 : memref<!tpu.dma_semaphore, #tpu.memory_space<semaphore_mem>>) src(%dma_wait3A_580 : memref<512xf32, #tpu.memory_space<vmem>>) dst(%dma_wait3A_578 : memref<512xf32, #tpu.memory_space<hbm>>)
    %dma_wait3A_581 = arith.constant 512 : i32
    %dma_wait3A_582 = tpu.memref_slice %arg6[%dma_wait3A_581] : memref<1024xf32, #tpu.memory_space<vmem>> -> memref<512xf32, #tpu.memory_space<vmem>>
    %dma_wait3A_583 = tpu.memref_slice %arg4[%add3A_568] : memref<16384xf32, #tpu.memory_space<hbm>> -> memref<512xf32, #tpu.memory_space<hbm>>
    %dma_wait3A_584 = tpu.memref_slice %arg4[%add3A_568] : memref<16384xf32, #tpu.memory_space<hbm>> -> memref<512xf32, #tpu.memory_space<hbm>>
    %dma_wait3A_585 = arith.constant 512 : i32
    %dma_wait3A_586 = tpu.memref_slice %arg6[%dma_wait3A_585] : memref<1024xf32, #tpu.memory_space<vmem>> -> memref<512xf32, #tpu.memory_space<vmem>>
    tpu.wait_dma2 semaphore(%arg12 : memref<!tpu.dma_semaphore, #tpu.memory_space<semaphore_mem>>) src(%dma_wait3A_586 : memref<512xf32, #tpu.memory_space<vmem>>) dst(%dma_wait3A_584 : memref<512xf32, #tpu.memory_space<hbm>>)
    return
  }
}

</mosaic_0001>

<sc_bundles>
// kernel: kernel.3.cloned.1.call-start
scs
__scs_entry_jumppad:
0x0: {  	(pc) =	sbr.rel $0x88, $3  }
0x1: {  	(tag) =	ssettag $0x0;
	lr =	simm.s32 $0x1  }
0x2: {  	[smem:$0x3F9F] =	sst lr;
	_ =	strace $0xD0000000  }
0x3: {  	_ = 	snop  }
0x4: {  	_ = 	snop  }
0x5: {  	_ = 	snop  }
0x6: {  	_ = 	snop  }
0x7: {  	_ = 	snop  }
__scs_overlays_trampoline_lowered:
0x8: {  	[smem:$0x3FAE] =	sst s0  }
0x9: {  	[smem:$0x3FAF] =	sst s1  }
0xa: {  	[smem:$0x3FB0] =	sst s2  }
0xb: {  	[smem:$0x3FB1] =	sst s3  }
0xc: {  	[smem:$0x3FB2] =	sst s4  }
0xd: {  	[smem:$0x3FB3] =	sst s5  }
0xe: {  	[smem:$0x3FB4] =	sst s6  }
0xf: {  	[smem:$0x3FB5] =	sst s7  }
0x10: {  	[smem:$0x3FB6] =	sst s8  }
0x11: {  	[smem:$0x3FB7] =	sst s9;
	s0 =	simm.s32 @!p0 $0x0  }
0x12: {  	s1 =	sld [smem:$0x3F9D];
	s0 =	simm.s32 @p0 $0x1  }
0x13: {  	[smem:$0x3FB8] =	sst s0;
	s0 =	simm.s32 @!p1 $0x0  }
0x14: {  	s2 =	sld [smem:$0x3F9C];
	s0 =	simm.s32 @p1 $0x1  }
0x15: {  	[smem:$0x3FB9] =	sst s0;
	s0 =	simm.s32 @!p2 $0x0  }
0x16: {  	s3 =	sld [smem:$0x3FDB];
	s0 =	simm.s32 @p2 $0x1  }
0x17: {  	s4 =	simm.s32 $0x1BF5;
	[smem:$0x3FBB] =	sst s0  }
0x18: {  	s0 =	sld [smem:$0x3F9E];
	_ =	swait.ge [sflag:s4], $0x0  }
0x19: {  	s7 =	sld [smem:$0x3F9F]  }
0x1a: {  	s8 =	sadd.s32 $0xFFFFE003, lr  }
0x1b: {  	s9 =	sadd.s32 $0xFFFFFEF7, lr;
	s5 =	simm.s32 $0xFFFFFFFF;
	p2 =	slt.u32 s8, $0xFFFFF086  }
0x1c: {  	p1 =	slt.u32 s9, $0xF7A;
	s5 =	simm.s32 @!p2 $0x0  }
0x1d: {  	s5 =	simm.s32 @p1 $0x1;
	p0 =	seq.s32 s7, s2  }
0x1e: {  	s7 =	smul.u32 @!p0 $0xF7A, s2;
	p2 =	seq.s32 @!p0 s5, $0x0  }
0x1f: {  	s9 =	smul.u32 $0xF7A, s1;
	s8 =	simm.s32 @!p0 $0x1BF5;
	p2 =	por !p2, p0  }
0x20: {  	[sflag:s8] =	ssyncset.s32 @!p0 $0xFFFFF086;
	s6 =	sadd.s32 @!p0 s3, s7;
	s7 =	simm.s32 @!p0 $0x108  }
0x21: {  	s3 =	sadd.s32 s3, s9;
	s6 =	sadd.s32 @!p0 $0x88, s6;
	s7 =	simm.s32 @p2 $0x1082  }
0x22: {  	[simem:s7], [sflag:s8] =	dma.local @!p0 [hbm:s6], $0xF7A  }
0x23: {  	s9 =	sor.u32 $0xD0000000, s2;
	s6 =	simm.s32 $0x108;
	_ =	swait.ge @!p0 [sflag:s8], $0x0  }
0x24: {  	s3 =	sadd.s32 $0x88, s3;
	s6 =	simm.s32 @!p1 $0x1082;
	[sflag:s4] =	ssyncset.s32 $0xFFFFF086  }
0x25: {  	[simem:s6], [sflag:s4] =	dma.local [hbm:s3], $0xF7A  }
0x26: {  	[smem:$0x3F9F] =	sst s1;
	(tag) =	ssettag s2;
	_ =	strace s9  }
0x27: {  	s1 =	sld [smem:$0x3FAF]  }
0x28: {  	s2 =	sld [smem:$0x3FB0]  }
0x29: {  	s4 =	sld [smem:$0x3FB2]  }
0x2a: {  	p0 =	seq.s32 s5, $0x0;
	s5 =	sld [smem:$0x3FB3]  }
0x2b: {  	s6 =	sld [smem:$0x3FB4]  }
0x2c: {  	s7 =	sld [smem:$0x3FB5]  }
0x2d: {  	s3 =	simm.s32 $0x108;
	s8 =	sld [smem:$0x3FB6]  }
0x2e: {  	s3 =	simm.s32 @!p0 $0x1082;
	s9 =	sld [smem:$0x3FB7]  }
0x2f: {  	lr =	sadd.s32 s0, s3;
	s0 =	sld [smem:$0x3FAE]  }
0x30: {  	s3 =	sld [smem:$0x3FB1]  }
0x31: {  	[smem:$0x3FBA] =	sst s10  }
0x32: {  	s10 =	sld [smem:$0x3FB8];
	_ =	sdelay $0x3  }
0x33: {  	p0 =	seq.s32 s10, $0x1;
	s10 =	sld [smem:$0x3FBA];
	_ =	sdelay $0x3  }
0x34: {  	[smem:$0x3FBA] =	sst s10  }
0x35: {  	s10 =	sld [smem:$0x3FB9];
	_ =	sdelay $0x3  }
0x36: {  	p1 =	seq.s32 s10, $0x1;
	s10 =	sld [smem:$0x3FBA];
	_ =	sdelay $0x3  }
0x37: {  	[smem:$0x3FBA] =	sst s10  }
0x38: {  	s10 =	sld [smem:$0x3FBB]  }
0x39: {  	_ = 	snop;
	(pc) =	sbr.ind lr, $3  }
0x3a: {  	_ = 	snop  }
0x3b: {  	_ = 	snop  }
0x3c: {  	p2 =	seq.s32 s10, $0x1;
	s10 =	sld [smem:$0x3FBA]  }
0x3d: {  	_ =	shalt  }
0x3e: {  	_ =	shalt  }
0x3f: {  	_ =	shalt  }
0x40: {  	_ =	shalt  }
0x41: {  	_ =	shalt  }
0x42: {  	_ =	shalt  }
0x43: {  	_ =	shalt  }
0x44: {  	_ =	shalt  }
0x45: {  	_ =	shalt  }
0x46: {  	_ =	shalt  }
0x47: {  	_ =	shalt  }
0x48: {  	_ =	shalt  }
0x49: {  	_ =	shalt  }
0x4a: {  	_ =	shalt  }
0x4b: {  	_ =	shalt  }
0x4c: {  	_ =	shalt  }
0x4d: {  	_ =	shalt  }
0x4e: {  	_ =	shalt  }
0x4f: {  	_ =	shalt  }
0x50: {  	_ =	shalt  }
0x51: {  	_ =	shalt  }
0x52: {  	_ =	shalt  }
0x53: {  	_ =	shalt  }
0x54: {  	_ =	shalt  }
0x55: {  	_ =	shalt  }
0x56: {  	_ =	shalt  }
0x57: {  	_ =	shalt  }
0x58: {  	_ =	shalt  }
0x59: {  	_ =	shalt  }
0x5a: {  	_ =	shalt  }
0x5b: {  	_ =	shalt  }
0x5c: {  	_ =	shalt  }
0x5d: {  	_ =	shalt  }
0x5e: {  	_ =	shalt  }
0x5f: {  	_ =	shalt  }
0x60: {  	_ =	shalt  }
0x61: {  	_ =	shalt  }
0x62: {  	_ =	shalt  }
0x63: {  	_ =	shalt  }
0x64: {  	_ =	shalt  }
0x65: {  	_ =	shalt  }
0x66: {  	_ =	shalt  }
0x67: {  	_ =	shalt  }
0x68: {  	_ =	shalt  }
0x69: {  	_ =	shalt  }
0x6a: {  	_ =	shalt  }
0x6b: {  	_ =	shalt  }
0x6c: {  	_ =	shalt  }
0x6d: {  	_ =	shalt  }
0x6e: {  	_ =	shalt  }
0x6f: {  	_ =	shalt  }
0x70: {  	_ =	shalt  }
0x71: {  	_ =	shalt  }
0x72: {  	_ =	shalt  }
0x73: {  	_ =	shalt  }
0x74: {  	_ =	shalt  }
0x75: {  	_ =	shalt  }
0x76: {  	_ =	shalt  }
0x77: {  	_ =	shalt  }
0x78: {  	_ =	shalt  }
0x79: {  	_ =	shalt  }
0x7a: {  	_ =	shalt  }
0x7b: {  	_ =	shalt  }
0x7c: {  	_ =	shalt  }
0x7d: {  	_ =	shalt  }
0x7e: {  	_ =	shalt  }
0x7f: {  	_ =	shalt  }
0x80: {  	_ =	shalt  }
0x81: {  	_ =	shalt  }
0x82: {  	_ =	shalt  }
0x83: {  	_ =	shalt  }
0x84: {  	_ =	shalt  }
0x85: {  	_ =	shalt  }
0x86: {  	_ =	shalt  }
0x87: {  	_ =	shalt  }
.Lfunc_end0:
.L_simem_size_0:
called_computation_lowered:
.L_overlay_start_0:
0x88: {  	s0 =	sld [smem:$0x3FD9]  }
0x89: {  	s1 =	sld [smem:$0x3FFE];
	_ =	sdelay $0x3  }
0x8a: {  	s0 =	sadd.s32 s1, s0  }
0x8b: {  	[smem:$0x3FC6] =	sst s0  }
0x8c: {  	_ = 	snop  }
0x8d: {  	s0 =	sld [smem:$0x3FC9]  }
0x8e: {  	s16 =	sld [smem:$0x3FD0];
	(tm) =	ssettm $0x1  }
0x8f: {  	s2 =	sld [smem:$0x3FFB];
	_ =	sdelay $0x3  }
0x90: {  	_ =	strace s2  }
0x91: {  	s2 =	sld [smem:$0x3FFC];
	_ =	sdelay $0x3  }
0x92: {  	_ =	strace s2  }
0x93: {  	s2 =	sld [smem:$0x3FFD];
	_ =	sdelay $0x3  }
0x94: {  	_ =	strace s2  }
0x95: {  	_ =	strace $0x8FFFFFFF  }
0x96: {  	s17 =	sld [smem:$0x3FDB];
	_ =	sdelay $0x1  }
0x97: {  	s3 =	simm.s32 $_scs_section_size  }
0x98: {  	s4 =	simm.s32 $_size__tile_overlayer_lowered;
	s5 =	simm.s32 $_tile_overlayer_lowered  }
0x99: {  	s20 =	simm.s32 $0x1BFF;
	s19 =	sshll.u32 s5, $0x1;
	s2 =	sadd.s32 s3, s17  }
0x9a: {  	s6 =	simm.s32 $0x0;
	s18 =	sshll.u32 s4, $0x1;
	s4 =	sadd.s32 s19, s2  }
0x9b: {  	[timem:s6], [sflag:s20] =	dma.local [hbm:s4], s18  }
0x9c: {  	_ =	swait.ge [sflag:s20], s18  }
0x9d: {  	s3 =	ssub.s32 $0x0, s18;
	[sflag:s20] =	ssyncset.done $0x0  }
0x9e: {  	[sflag:s20] =	ssyncadd.s32 s3;
	_ =	sdelay $0x1  }
0x9f: {  	s21 =	simm.s32 $0x1B8B  }
0xa0: {  	_ =	swait.ge [sflag:s21], $0x1  }
0xa1: {  	[sflag:s21] =	ssyncset.done $0x0  }
0xa2: {  	s23 =	simm.s32 $0x1B8E;
	s22 =	sld [smem:$0x3FFE];
	[sflag:s21] =	ssyncadd.s32 $0xFFFFFFFF  }
0xa3: {  	s24 =	simm.s32 $execute0_lowered;
	[smem:$0x3FD2] =	sst s23  }
0xa4: {  	s4 =	sshll.u32 s24, $0x1;
	_ =	strace $0x80000046;
	[dreg:$0x1] =	wrdreg $0xFFFFFFFF  }
0xa5: {  	s25 =	simm.s32 $_size_execute0_lowered;
	s2 =	sadd.s32 s2, s4;
	[dreg:$0x0] =	wrdreg $0x0  }
0xa6: {  	s4 =	sshll.u32 s25, $0x1;
	[dreg:$0x2] =	wrdreg s2  }
0xa7: {  	[dreg:$0x3] =	wrdreg s4  }
0xa8: {  	[dreg:$0x4] =	wrdreg $0xC0  }
0xa9: {  	_ =	task [dreg:s6], $0x5FFFF  }
0xaa: {  	[dreg:$0x1] =	wrdreg $0xFFFFFFFF  }
0xab: {  	[dreg:$0x0] =	wrdreg $0x60  }
0xac: {  	[dreg:$0x2] =	wrdreg s0  }
0xad: {  	[dreg:$0x3] =	wrdreg s22  }
0xae: {  	[dreg:$0x4] =	wrdreg s16  }
0xaf: {  	[dreg:$0x5] =	wrdreg $0x9  }
0xb0: {  	_ =	task.clear_ibuf [dreg:s6], $0x6FFFF;
	_ =	strace $0x90000046  }
0xb1: {  	s26 =	simm.s32 $0x9;
	_ =	strace $0x80000048  }
0xb2: {  	_ =	swait.ge [sflag:s26], $0x1  }
0xb3: {  	[sflag:s26] =	ssyncadd.s32 $0xFFFFFFFF  }
0xb4: {  	_ =	strace $0x90000048  }
0xb5: {  	_ =	sfence  }
0xb6: {  	s28 =	sld [smem:$0x0];
	_ =	sdelay $0x1  }
0xb7: {  	s29 =	srdreg.scid  }
0xb8: {  	s30 =	sshll.u32 s29, $0xD;
	s31 =	sshrl.u32 s29, $0x2  }
0xb9: {  	s1 =	sand.u32 $0x1, s29;
	s2 =	sand.u32 $0x4000, s30;
	s0 =	sadd.s32 s31, s28  }
0xba: {  	s1 =	sor.u32 s2, s1;
	s0 =	sshll.u32 s0, $0x11  }
0xbb: {  	s0 =	sor.u32 s0, s1  }
0xbc: {  	s0 =	sadd.s32 $0x8F2B, s0  }
0xbd: {  	[sflag:s0] =	ssyncadd.remote.s32 $0x1  }
0xbe: {  	_ =	sfence.sel $0xFFFF  }
0xbf: {  	[dreg:$0x0] =	wrdreg $0xFFFFFFFF;
	(pc) =	sbr.abs _section_cstart, $3  }
0xc0: {  	[dreg:$0x1] =	wrdreg $0xFFFFFFFF  }
0xc1: {  	_ =	task.clear_ibuf [dreg:s6], $0x2FFFF;
	_ =	strace $0x9FFFFFFF  }
0xc2: {  	(tm) =	ssettm $0x7FFFFFFF  }
0xc3: {  	_ =	shalt  }
tec
execute0_lowered:
.L_overlay_start_1:
0x0: {  	(tag) =	ssettag $0x1  }
0x1: {  	s5 =	rddreg [dreg:$0x0]  }
0x2: {  	s8 =	rddreg [dreg:$0x1]  }
0x3: {  	s2 =	rddreg [dreg:$0x2]  }
0x4: {  	s0 =	rddreg [dreg:$0x3];
	s3 =	simm.s32 $0x0;
	s1 =	stileid.u32  }
0x5: {  	[smem:$0x7FF] =	sst s3;
	s6 =	sshll.u32 s1, $0x7  }
0x6: {  	_ =	strace $0x80000047;
	s7 =	sadd.s32 s5, s6;
	s4 =	sor.u32 $0x40, s6  }
0x7: {  	[tilespmem:s3], [sflag:$0x1] =	stream.linear.gather [hbm4b:s7+s3], $0x200, $0x38;
	[tilespmem:$0x800] =	vst v63  }
0x8: {  	s9 =	simm.s32 $0x200;
	s23 =	simm.s32 $0x1;
	s5 =	sadd.s32 s5, s4  }
0x9: {  	[tilespmem:s9], [sflag:$0x2] =	stream.linear.gather [hbm4b:s5+s3], $0x200, $0x38;
	[tilespmem:$0x800] =	vst v63  }
0xa: {  	_ =	swait.ge [sflag:s23], $0x200  }
0xb: {  	[sflag:s23] =	ssyncset.done $0x0  }
0xc: {  	s24 =	simm.s32 $0x400;
	s25 =	simm.s32 $0x2;
	[sflag:s23] =	ssyncadd.s32 $0xFFFFFE00  }
0xd: {  	[tilespmem:s24], [sflag:$0x3] =	stream.indirect.gather [hbm4b:s8+s9], $0x1, s3, s9, $0xb8;
	[tilespmem:$0x800] =	vst v63  }
0xe: {  	_ =	swait.ge [sflag:s25], $0x200  }
0xf: {  	[sflag:s25] =	ssyncset.done $0x0  }
0x10: {  	s26 =	simm.s32 $0x600;
	s28 =	simm.s32 $0x3;
	[sflag:s25] =	ssyncadd.s32 $0xFFFFFE00  }
0x11: {  	[tilespmem:s26], [sflag:$0x4] =	stream.indirect.gather [hbm4b:s8+s9], $0x1, s9, s9, $0xb8;
	[tilespmem:$0x800] =	vst v63  }
0x12: {  	_ =	swait.ge [sflag:s28], $0x200  }
0x13: {  	[sflag:s28] =	ssyncset.done $0x0  }
0x14: {  	[sflag:s28] =	ssyncadd.s32 $0xFFFFFE00  }
0x15: {  	v0 =	vld [tilespmem:$0x400]  }
0x16: {  	v1 =	vld [tilespmem:$0x410]  }
0x17: {  	v2 =	vld [tilespmem:$0x420]  }
0x18: {  	v3 =	vld [tilespmem:$0x430]  }
0x19: {  	v4 =	vld [tilespmem:$0x440]  }
0x1a: {  	v5 =	vld [tilespmem:$0x450];
	v0 =	vsub.f32 v0, v0  }
0x1b: {  	v6 =	vld [tilespmem:$0x460];
	v1 =	vsub.f32 v1, v1  }
0x1c: {  	v58 =	vld [tilespmem:$0x470];
	v57 =	vsub.f32 v2, v2;
	[tilespmem:$0x400] =	vst v0  }
0x1d: {  	v60 =	vld [tilespmem:$0x480];
	v59 =	vsub.f32 v3, v3;
	[tilespmem:$0x410] =	vst v1  }
0x1e: {  	v62 =	vld [tilespmem:$0x490];
	v61 =	vsub.f32 v4, v4;
	[tilespmem:$0x420] =	vst v57  }
0x1f: {  	v9 =	vld [tilespmem:$0x4A0];
	v63 =	vsub.f32 v5, v5;
	[tilespmem:$0x430] =	vst v59  }
0x20: {  	v11 =	vld [tilespmem:$0x4B0];
	v10 =	vsub.f32 v6, v6;
	[tilespmem:$0x440] =	vst v61  }
0x21: {  	v13 =	vld [tilespmem:$0x4C0];
	v12 =	vsub.f32 v58, v58;
	[tilespmem:$0x450] =	vst v63  }
0x22: {  	v15 =	vld [tilespmem:$0x4D0];
	v14 =	vsub.f32 v60, v60;
	[tilespmem:$0x460] =	vst v10  }
0x23: {  	v17 =	vld [tilespmem:$0x4E0];
	v16 =	vsub.f32 v62, v62;
	[tilespmem:$0x470] =	vst v12  }
0x24: {  	v19 =	vld [tilespmem:$0x4F0];
	v18 =	vsub.f32 v9, v9;
	[tilespmem:$0x480] =	vst v14  }
0x25: {  	v21 =	vld [tilespmem:$0x500];
	v20 =	vsub.f32 v11, v11;
	[tilespmem:$0x490] =	vst v16  }
0x26: {  	v23 =	vld [tilespmem:$0x510];
	v22 =	vsub.f32 v13, v13;
	[tilespmem:$0x4A0] =	vst v18  }
0x27: {  	v25 =	vld [tilespmem:$0x520];
	v24 =	vsub.f32 v15, v15;
	[tilespmem:$0x4B0] =	vst v20  }
0x28: {  	v27 =	vld [tilespmem:$0x530];
	v26 =	vsub.f32 v17, v17;
	[tilespmem:$0x4C0] =	vst v22  }
0x29: {  	v29 =	vld [tilespmem:$0x540];
	v28 =	vsub.f32 v19, v19;
	[tilespmem:$0x4D0] =	vst v24  }
0x2a: {  	v31 =	vld [tilespmem:$0x550];
	v30 =	vsub.f32 v21, v21;
	[tilespmem:$0x4E0] =	vst v26  }
0x2b: {  	v33 =	vld [tilespmem:$0x560];
	v32 =	vsub.f32 v23, v23;
	[tilespmem:$0x4F0] =	vst v28  }
0x2c: {  	v35 =	vld [tilespmem:$0x570];
	v34 =	vsub.f32 v25, v25;
	[tilespmem:$0x500] =	vst v30  }
0x2d: {  	v37 =	vld [tilespmem:$0x580];
	v36 =	vsub.f32 v27, v27;
	[tilespmem:$0x510] =	vst v32  }
0x2e: {  	v39 =	vld [tilespmem:$0x590];
	v38 =	vsub.f32 v29, v29;
	[tilespmem:$0x520] =	vst v34  }
0x2f: {  	v41 =	vld [tilespmem:$0x5A0];
	v40 =	vsub.f32 v31, v31;
	[tilespmem:$0x530] =	vst v36  }
0x30: {  	v43 =	vld [tilespmem:$0x5B0];
	v42 =	vsub.f32 v33, v33;
	[tilespmem:$0x540] =	vst v38  }
0x31: {  	v45 =	vld [tilespmem:$0x5C0];
	v44 =	vsub.f32 v35, v35;
	[tilespmem:$0x550] =	vst v40  }
0x32: {  	v47 =	vld [tilespmem:$0x5D0];
	v46 =	vsub.f32 v37, v37;
	[tilespmem:$0x560] =	vst v42  }
0x33: {  	v49 =	vld [tilespmem:$0x5E0];
	v48 =	vsub.f32 v39, v39;
	[tilespmem:$0x570] =	vst v44  }
0x34: {  	v51 =	vld [tilespmem:$0x5F0];
	v50 =	vsub.f32 v41, v41;
	[tilespmem:$0x580] =	vst v46  }
0x35: {  	v52 =	vsub.f32 v43, v43;
	[tilespmem:$0x590] =	vst v48  }
0x36: {  	v53 =	vsub.f32 v45, v45;
	[tilespmem:$0x5A0] =	vst v50  }
0x37: {  	v54 =	vsub.f32 v47, v47;
	[tilespmem:$0x5B0] =	vst v52  }
0x38: {  	v55 =	vsub.f32 v49, v49;
	[tilespmem:$0x5C0] =	vst v53  }
0x39: {  	v56 =	vsub.f32 v51, v51;
	[tilespmem:$0x5D0] =	vst v54  }
0x3a: {  	[tilespmem:$0x5E0] =	vst v55  }
0x3b: {  	s29 =	simm.s32 $0x4;
	s6 =	sadd.s32 s2, s6;
	[tilespmem:$0x5F0] =	vst v56  }
0x3c: {  	[hbm4b:s6+s3] =	stream.linear.scatter [tilespmem:s24], [sflag:$0x5], $0x200, $0x38;
	[tilespmem:$0x800] =	vst v63  }
0x3d: {  	_ =	swait.ge [sflag:s29], $0x200  }
0x3e: {  	[sflag:s29] =	ssyncset.done $0x0  }
0x3f: {  	[sflag:s29] =	ssyncadd.s32 $0xFFFFFE00  }
0x40: {  	v57 =	vld [tilespmem:$0x600]  }
0x41: {  	v58 =	vld [tilespmem:$0x610]  }
0x42: {  	v59 =	vld [tilespmem:$0x620]  }
0x43: {  	v60 =	vld [tilespmem:$0x630]  }
0x44: {  	v61 =	vld [tilespmem:$0x640]  }
0x45: {  	v62 =	vld [tilespmem:$0x650];
	v0 =	vsub.f32 v57, v57  }
0x46: {  	v63 =	vld [tilespmem:$0x660];
	v1 =	vsub.f32 v58, v58  }
0x47: {  	v10 =	vld [tilespmem:$0x670];
	v9 =	vsub.f32 v59, v59;
	[tilespmem:$0x600] =	vst v0  }
0x48: {  	v12 =	vld [tilespmem:$0x680];
	v11 =	vsub.f32 v60, v60;
	[tilespmem:$0x610] =	vst v1  }
0x49: {  	v14 =	vld [tilespmem:$0x690];
	v13 =	vsub.f32 v61, v61;
	[tilespmem:$0x620] =	vst v9  }
0x4a: {  	v16 =	vld [tilespmem:$0x6A0];
	v15 =	vsub.f32 v62, v62;
	[tilespmem:$0x630] =	vst v11  }
0x4b: {  	v18 =	vld [tilespmem:$0x6B0];
	v17 =	vsub.f32 v63, v63;
	[tilespmem:$0x640] =	vst v13  }
0x4c: {  	v20 =	vld [tilespmem:$0x6C0];
	v19 =	vsub.f32 v10, v10;
	[tilespmem:$0x650] =	vst v15  }
0x4d: {  	v22 =	vld [tilespmem:$0x6D0];
	v21 =	vsub.f32 v12, v12;
	[tilespmem:$0x660] =	vst v17  }
0x4e: {  	v24 =	vld [tilespmem:$0x6E0];
	v23 =	vsub.f32 v14, v14;
	[tilespmem:$0x670] =	vst v19  }
0x4f: {  	v26 =	vld [tilespmem:$0x6F0];
	v25 =	vsub.f32 v16, v16;
	[tilespmem:$0x680] =	vst v21  }
0x50: {  	v28 =	vld [tilespmem:$0x700];
	v27 =	vsub.f32 v18, v18;
	[tilespmem:$0x690] =	vst v23  }
0x51: {  	v30 =	vld [tilespmem:$0x710];
	v29 =	vsub.f32 v20, v20;
	[tilespmem:$0x6A0] =	vst v25  }
0x52: {  	v32 =	vld [tilespmem:$0x720];
	v31 =	vsub.f32 v22, v22;
	[tilespmem:$0x6B0] =	vst v27  }
0x53: {  	v34 =	vld [tilespmem:$0x730];
	v33 =	vsub.f32 v24, v24;
	[tilespmem:$0x6C0] =	vst v29  }
0x54: {  	v36 =	vld [tilespmem:$0x740];
	v35 =	vsub.f32 v26, v26;
	[tilespmem:$0x6D0] =	vst v31  }
0x55: {  	v38 =	vld [tilespmem:$0x750];
	v37 =	vsub.f32 v28, v28;
	[tilespmem:$0x6E0] =	vst v33  }
0x56: {  	v40 =	vld [tilespmem:$0x760];
	v39 =	vsub.f32 v30, v30;
	[tilespmem:$0x6F0] =	vst v35  }
0x57: {  	v42 =	vld [tilespmem:$0x770];
	v41 =	vsub.f32 v32, v32;
	[tilespmem:$0x700] =	vst v37  }
0x58: {  	v44 =	vld [tilespmem:$0x780];
	v43 =	vsub.f32 v34, v34;
	[tilespmem:$0x710] =	vst v39  }
0x59: {  	v46 =	vld [tilespmem:$0x790];
	v45 =	vsub.f32 v36, v36;
	[tilespmem:$0x720] =	vst v41  }
0x5a: {  	v48 =	vld [tilespmem:$0x7A0];
	v47 =	vsub.f32 v38, v38;
	[tilespmem:$0x730] =	vst v43  }
0x5b: {  	v50 =	vld [tilespmem:$0x7B0];
	v49 =	vsub.f32 v40, v40;
	[tilespmem:$0x740] =	vst v45  }
0x5c: {  	v52 =	vld [tilespmem:$0x7C0];
	v51 =	vsub.f32 v42, v42;
	[tilespmem:$0x750] =	vst v47  }
0x5d: {  	v54 =	vld [tilespmem:$0x7D0];
	v53 =	vsub.f32 v44, v44;
	[tilespmem:$0x760] =	vst v49  }
0x5e: {  	v56 =	vld [tilespmem:$0x7E0];
	v55 =	vsub.f32 v46, v46;
	[tilespmem:$0x770] =	vst v51  }
0x5f: {  	v57 =	vsub.f32 v48, v48;
	v58 =	vld [tilespmem:$0x7F0];
	[tilespmem:$0x780] =	vst v53  }
0x60: {  	v59 =	vsub.f32 v50, v50;
	[tilespmem:$0x790] =	vst v55  }
0x61: {  	v60 =	vsub.f32 v52, v52;
	[tilespmem:$0x7A0] =	vst v57  }
0x62: {  	v61 =	vsub.f32 v54, v54;
	[tilespmem:$0x7B0] =	vst v59  }
0x63: {  	v62 =	vsub.f32 v56, v56;
	[tilespmem:$0x7C0] =	vst v60  }
0x64: {  	[tilespmem:$0x7D0] =	vst v61;
	v63 =	vsub.f32 v58, v58  }
0x65: {  	[tilespmem:$0x7E0] =	vst v62  }
0x66: {  	s30 =	simm.s32 $0x5;
	s2 =	sadd.s32 s2, s4;
	[tilespmem:$0x7F0] =	vst v63  }
0x67: {  	[hbm4b:s2+s3] =	stream.linear.scatter [tilespmem:s26], [sflag:$0x6], $0x200, $0x38;
	[tilespmem:$0x800] =	vst v63  }
0x68: {  	_ =	swait.ge [sflag:s30], $0x200  }
0x69: {  	[sflag:s30] =	ssyncset.done $0x0  }
0x6a: {  	s31 =	simm.s32 $0x6;
	[sflag:s30] =	ssyncadd.s32 $0xFFFFFE00  }
0x6b: {  	_ =	swait.ge [sflag:s31], $0x200  }
0x6c: {  	[sflag:s31] =	ssyncset.done $0x0  }
0x6d: {  	[sflag:s31] =	ssyncadd.s32 $0xFFFFFE00  }
0x6e: {  	_ =	sfence.sel $0x180000  }
0x6f: {  	[bflag:$0x0] =	sbarrier.arrive $0xFFFF  }
0x70: {  	p0 =	sne.s32 s1, $0x0;
	_ =	strace $0x90000047  }
0x71: {  	s0 =	sadd.s32 @!p0 $0x100000, s0;
	[bflag:$0x2] =	sbarrier.arrive $0xFFFF  }
0x72: {  	[sflag:s0] =	ssyncadd.tile.s32 @!p0 $0x1;
	_ =	shalt  }
.Lfunc_end2:
_tile_overlayer_lowered:
.L_overlay_start_2:
0x73: {  	(tag) =	ssettag $0x2  }
0x74: {  	s0 =	rddreg [dreg:$0x0];
	s2 =	stileid.u32  }
0x75: {  	s1 =	rddreg [dreg:$0x1];
	p0 =	sne.s32 s2, $0x0  }
0x76: {  	s3 =	rddreg [dreg:$0x2];
	[bflag:$0x3] =	sbarrier.arrive $0xFFFF;
	s2 =	simm.s32 @!p0 $0x1C07  }
0x77: {  	[timem:s3], [sflag:s2] =	dma.local @!p0 [hbm:s0], s1  }
0x78: {  	s0 =	simm.s32 @!p0 $0x7  }
0x79: {  	_ =	swait.ge @!p0 [sflag:s0], s1  }
0x7a: {  	s1 =	ssub.s32 @!p0 $0x0, s1;
	[sflag:s0] =	ssyncset.done @!p0 $0x0  }
0x7b: {  	[sflag:s0] =	ssyncadd.s32 @!p0 s1  }
0x7c: {  	[bflag:$0x3] =	sbarrier.arrive $0xFFFF  }
0x7d: {  	_ =	shalt  }

</sc_bundles>
